<compile_context>
chip_gen: v7x
topology: tpu7x:2x2x1
jax: 0.10.2.dev20260603
libtpu: 0.0.44.dev20260713+nightly
codegen_flags: <defaults>
</compile_context>

<pallas_src>
import functools

import jax
import jax.numpy as jnp
from jax import lax
from jax.experimental import pallas as pl
from jax.experimental.pallas import tpu as pltpu
from jax.experimental.pallas import tpu_sc as plsc

_K = 16


def _dot(a, b):
    return lax.dot_general(a, b, (((1,), (0,)), ((), ())),
                           preferred_element_type=jnp.float32)



def _knn_body(n_pts, bn, pc_ref, pct_ref, idx_ref):
    b = pl.program_id(0)
    a = pc_ref[0]
    t = pct_ref[0]
    d2 = jnp.zeros((bn, n_pts), jnp.float32)
    for d in range(3):
        diff = a[:, d:d + 1] - t[d:d + 1, :]
        d2 = d2 + diff * diff
    colid = lax.broadcasted_iota(jnp.int32, (bn, n_pts), 1)
    key = (lax.bitcast_convert_type(d2, jnp.int32) & ~2047) | colid
    big = jnp.int32(jnp.iinfo(jnp.int32).max)
    cols = []
    for _ in range(_K):
        m = jnp.min(key, axis=1, keepdims=True)
        cols.append(m & 2047)
        key = jnp.where(key == m, big, key)
    idx_ref[0] = jnp.concatenate(cols, axis=1) + b * n_pts


def _knn(pc):
    bsz, n_pts, dims = pc.shape
    bn = 256
    pc8 = jnp.pad(pc, ((0, 0), (0, 0), (0, 8 - dims)))
    pct = jnp.transpose(pc8, (0, 2, 1))
    return pl.pallas_call(
        functools.partial(_knn_body, n_pts, bn),
        grid=(bsz, n_pts // bn),
        in_specs=[
            pl.BlockSpec((1, bn, 8), lambda b, i: (b, i, 0)),
            pl.BlockSpec((1, 8, n_pts), lambda b, i: (b, 0, 0)),
        ],
        out_specs=pl.BlockSpec((1, bn, _K), lambda b, i: (b, i, 0)),
        out_shape=jax.ShapeDtypeStruct((bsz, n_pts, _K), jnp.int32),
    )(pc8, pct)



def _pre_body(f_ref, wres_ref, bres_ref, w0_ref, b0_ref, y_ref, x0_ref):
    f = f_ref[...]
    y_ref[...] = jnp.maximum(_dot(f, wres_ref[...]) + bres_ref[...], 0.0)
    x0_ref[...] = jnp.maximum(_dot(f, w0_ref[...]) + b0_ref[...], 0.0)


def _pre(f2, w_res, b_res, w_0, b_0):
    m, f_dim = f2.shape
    u = w_res.shape[1]
    u4 = w_0.shape[1]
    rb = 512
    full = lambda shp: pl.BlockSpec(shp, lambda i: tuple(0 for _ in shp))
    return pl.pallas_call(
        _pre_body,
        grid=(m // rb,),
        in_specs=[
            pl.BlockSpec((rb, f_dim), lambda i: (i, 0)),
            full((f_dim, u)), full((1, u)),
            full((f_dim, u4)), full((1, u4)),
        ],
        out_specs=[
            pl.BlockSpec((rb, u), lambda i: (i, 0)),
            pl.BlockSpec((rb, u4), lambda i: (i, 0)),
        ],
        out_shape=[
            jax.ShapeDtypeStruct((m, u), jnp.float32),
            jax.ShapeDtypeStruct((m, u4), jnp.float32),
        ],
    )(f2, w_res, b_res, w_0, b_0)



def _sc_gather_tables(tables, idxg):
    n_t = len(tables)
    r_tot = idxg.shape[0]
    info = plsc.get_sparse_core_info()
    nw = info.num_cores * info.num_subcores
    per_w = r_tot // nw
    chunk = 128
    n_it = per_w // chunk
    mesh = plsc.VectorSubcoreMesh(core_axis_name="c", subcore_axis_name="s")

    out_type = [jax.ShapeDtypeStruct((r_tot, t.shape[1]), jnp.float32)
                for t in tables]
    scratch_types = ([pltpu.VMEM((chunk,), jnp.int32)] * 2
                     + [pltpu.VMEM((chunk, t.shape[1]), jnp.float32)
                        for t in tables] * 2
                     + [pltpu.SemaphoreType.DMA] * 2)

    def body(*refs):
        tabs = refs[0:n_t]
        idx_hbm = refs[n_t]
        outs = refs[n_t + 1:2 * n_t + 1]
        scr = refs[2 * n_t + 1:]
        idx_vs = scr[0:2]
        bufs = [scr[2 + n_t * h:2 + n_t * (h + 1)] for h in range(2)]
        sems = scr[2 + 2 * n_t:2 + 2 * n_t + 2]
        wid = lax.axis_index("s") * info.num_cores + lax.axis_index("c")

        def step(jj, carry):
            handles = []
            for h in range(2):
                base = wid * per_w + (2 * jj + h) * chunk
                pltpu.sync_copy(idx_hbm.at[pl.ds(base, chunk)], idx_vs[h])
                handles.append([
                    pltpu.async_copy(tb.at[idx_vs[h]], bf, sems[h])
                    for tb, bf in zip(tabs, bufs[h])])
            for h in range(2):
                for hd in handles[h]:
                    hd.wait()
                base = wid * per_w + (2 * jj + h) * chunk
                for bf, ob in zip(bufs[h], outs):
                    pltpu.sync_copy(bf, ob.at[pl.ds(base, chunk)])
            return carry

        lax.fori_loop(0, n_it // 2, step, 0)

    fn = pl.kernel(body, mesh=mesh, out_type=out_type,
                   scratch_types=scratch_types)
    res = fn(*tables, idxg)
    return list(res) if isinstance(res, (tuple, list)) else [res]



def _att_core(pb, u4, xg, pg, pr, wa, wb, wn, bl, ws, bs):
    pg = pg[:, :16]
    diff = pr - pg
    norms = jnp.sqrt(jnp.sum(diff * diff, axis=1, keepdims=True))
    pre = _dot(pr, wa) + _dot(pg, wb) + norms * wn + bl
    r = jnp.maximum(pre, 0.0)
    nf = jnp.concatenate([xg, r], axis=1)
    logits = _dot(nf, ws) + bs
    mx = jnp.max(logits, axis=1, keepdims=True)
    e = jnp.exp(logits - mx)
    s = e / jnp.sum(e, axis=1, keepdims=True)
    w = nf * s
    att = jnp.sum(w.reshape(pb, _K, 2 * u4), axis=1)
    return att


def _layer0_body(pb, u4,
                 xg_ref, pg_ref, pr_ref, wa_ref, wb_ref, wn_ref,
                 bl_ref, ws_ref, bs_ref, wf_ref, bf_ref, x1_ref):
    att = _att_core(pb, u4, xg_ref[...], pg_ref[...], pr_ref[...],
                    wa_ref[...], wb_ref[...], wn_ref[...],
                    bl_ref[...], ws_ref[...], bs_ref[...])
    x1_ref[...] = jnp.maximum(_dot(att, wf_ref[...]) + bf_ref[...], 0.0)


def _layer1_body(pb, u4,
                 xg_ref, pg_ref, pr_ref, wa_ref, wb_ref, wn_ref,
                 bl_ref, ws_ref, bs_ref, wf_ref, bf_ref,
                 w1_ref, b1_ref, y_ref, out_ref):
    att = _att_core(pb, u4, xg_ref[...], pg_ref[...], pr_ref[...],
                    wa_ref[...], wb_ref[...], wn_ref[...],
                    bl_ref[...], ws_ref[...], bs_ref[...])
    x2 = jnp.maximum(_dot(att, wf_ref[...]) + bf_ref[...], 0.0)
    h = jnp.maximum(_dot(x2, w1_ref[...]) + b1_ref[...], 0.0)
    o = h + y_ref[...]
    out_ref[...] = jnp.where(o >= 0.0, o, 0.2 * o)


def _row_spec(rows, cols):
    return pl.BlockSpec((rows, cols), lambda i: (i, 0))


def _full_spec(shp):
    return pl.BlockSpec(shp, lambda i: tuple(0 for _ in shp))


def _layer0(xg, pg, pr, wa, wb, wn, bl, ws, bs, wf, bf):
    r_tot, u4 = xg.shape
    rb = 1024
    pb = rb // _K
    m = r_tot // _K
    weights = [wa, wb, wn, bl, ws, bs, wf, bf]
    return pl.pallas_call(
        functools.partial(_layer0_body, pb, u4),
        grid=(r_tot // rb,),
        in_specs=[
            _row_spec(rb, u4), _row_spec(rb, 128), _row_spec(rb, 16),
        ] + [_full_spec(w.shape) for w in weights],
        out_specs=_row_spec(pb, u4),
        out_shape=jax.ShapeDtypeStruct((m, u4), jnp.float32),
    )(xg, pg, pr, *weights)


def _layer1(xg, pg, pr, wa, wb, wn, bl, ws, bs, wf, bf, w1, b1, y):
    r_tot, u4 = xg.shape
    u = w1.shape[1]
    rb = 1024
    pb = rb // _K
    m = r_tot // _K
    weights = [wa, wb, wn, bl, ws, bs, wf, bf, w1, b1]
    return pl.pallas_call(
        functools.partial(_layer1_body, pb, u4),
        grid=(r_tot // rb,),
        in_specs=[
            _row_spec(rb, u4), _row_spec(rb, 128), _row_spec(rb, 16),
        ] + [_full_spec(w.shape) for w in weights]
          + [_row_spec(pb, u)],
        out_specs=_row_spec(pb, u),
        out_shape=jax.ShapeDtypeStruct((m, u), jnp.float32),
    )(xg, pg, pr, *weights, y)



def _fold_locse_weights(wl):
    wa = jnp.pad(wl[0:3] + wl[6:9], ((0, 13), (0, 0)))
    wb = jnp.pad(wl[3:6] - wl[6:9], ((0, 13), (0, 0)))
    return wa, wb, wl[9:10]


def kernel(pc, feats, W_res, b_res, W_0, b_0, W_l0, b_l0, W_s0, b_s0,
           W_f0, b_f0, W_l1, b_l1, W_s1, b_s1, W_f1, b_f1, W_1, b_1):
    bsz, n_pts, dims = pc.shape
    m = bsz * n_pts
    f_dim = feats.shape[-1]
    u4 = W_0.shape[1]
    u2 = 2 * u4
    u = W_res.shape[1]

    idx = _knn(pc)
    idxg = idx.reshape(m * _K)

    y, x0 = _pre(feats.reshape(m, f_dim), W_res, b_res.reshape(1, u),
                 W_0, b_0.reshape(1, u4))

    pcp = jnp.pad(pc.reshape(m, dims), ((0, 0), (0, 128 - dims)))
    pcr = jnp.broadcast_to(pcp[:, :16].reshape(m, 1, 16),
                           (m, _K, 16)).reshape(m * _K, 16)

    wa0, wb0, wn0 = _fold_locse_weights(W_l0)
    wa1, wb1, wn1 = _fold_locse_weights(W_l1)

    xg0, pg = _sc_gather_tables([x0, pcp], idxg)
    x1 = _layer0(xg0, pg, pcr,
                 wa0, wb0, wn0, b_l0.reshape(1, u4),
                 W_s0, b_s0.reshape(1, u2),
                 W_f0, b_f0.reshape(1, u4))

    (xg1,) = _sc_gather_tables([x1], idxg)
    out = _layer1(xg1, pg, pcr,
                  wa1, wb1, wn1, b_l1.reshape(1, u4),
                  W_s1, b_s1.reshape(1, u2),
                  W_f1, b_f1.reshape(1, u2),
                  W_1, b_1.reshape(1, u), y)
    return out.reshape(bsz, n_pts, u)

# --- scband reference (transcript-rebuilt; emitter-appended) ---
"""Pipeline reference for scband-rand-lanet-64707977282336 (READ-ONLY COPY).

The authoritative reference and input builder live on the scoring server;
editing this copy changes nothing except your own understanding.
"""

import jax, jax.numpy as jnp
import numpy as np

K = 16

def _gather(x, idx):
    # x: (B,N,D), idx: (B,N,K) -> (B,N,K,D)
    return jax.vmap(lambda xb, ib: xb[ib])(x, idx)

def _knn_idx(pc, k):
    sq = jnp.sum(pc * pc, axis=-1)
    d2 = sq[:, :, None] + sq[:, None, :] - 2.0 * jnp.einsum('bnd,bmd->bnm', pc, pc)
    _, idx = jax.lax.top_k(-d2, k)
    return idx

def _locse(pc, feats, idx, W, b, k):
    n_points = _gather(pc, idx)
    n_feats = _gather(feats, idx)
    Kpc = jnp.repeat(pc[:, :, None, :], k, axis=2)
    relp = Kpc - n_points
    norms = jnp.linalg.norm(relp, axis=-1, keepdims=True)
    rppe = jnp.concatenate([Kpc, n_points, relp, norms], axis=-1)
    r = jax.nn.relu(rppe @ W + b)
    return jnp.concatenate([n_feats, r], axis=-1)

def _att_pool(nf, Ws, bs, Wf, bf):
    scores = jax.nn.softmax(nf @ Ws + bs, axis=-1)
    attention = jnp.sum(nf * scores, axis=-2, keepdims=True)
    out = jax.nn.relu(attention @ Wf + bf)
    B, N, _, U = out.shape
    return out.reshape(B, N, U)

def setup_inputs(seed: int = 0):
    key = jax.random.key(seed)
    ks = jax.random.split(key, 12)
    B, N, dims, F, units = 4, 2048, 3, 256, 512
    u4, u2 = units // 4, units // 2
    def w(k, shape):
        return jax.random.normal(k, shape, dtype=jnp.float32) * (1.0 / np.sqrt(shape[0]))
    inp = {}
    inp['pc'] = jax.random.normal(ks[0], (B, N, dims), dtype=jnp.float32)
    inp['feats'] = jax.random.normal(ks[1], (B, N, F), dtype=jnp.float32)
    inp['W_res'] = w(ks[2], (F, units)); inp['b_res'] = jnp.zeros((units,), jnp.float32)
    inp['W_0'] = w(ks[3], (F, u4)); inp['b_0'] = jnp.zeros((u4,), jnp.float32)
    inp['W_l0'] = w(ks[4], (10, u4)); inp['b_l0'] = jnp.zeros((u4,), jnp.float32)
    inp['W_s0'] = w(ks[5], (u2, u2)); inp['b_s0'] = jnp.zeros((u2,), jnp.float32)
    inp['W_f0'] = w(ks[6], (u2, u4)); inp['b_f0'] = jnp.zeros((u4,), jnp.float32)
    inp['W_l1'] = w(ks[7], (10, u4)); inp['b_l1'] = jnp.zeros((u4,), jnp.float32)
    inp['W_s1'] = w(ks[8], (u2, u2)); inp['b_s1'] = jnp.zeros((u2,), jnp.float32)
    inp['W_f1'] = w(ks[9], (u2, u2)); inp['b_f1'] = jnp.zeros((u2,), jnp.float32)
    inp['W_1'] = w(ks[10], (u2, units)); inp['b_1'] = jnp.zeros((units,), jnp.float32)
    return inp

def reference(pc, feats, W_res, b_res, W_0, b_0, W_l0, b_l0, W_s0, b_s0, W_f0, b_f0, W_l1, b_l1, W_s1, b_s1, W_f1, b_f1, W_1, b_1):
    idx = _knn_idx(pc, K)
    y = jax.nn.relu(feats @ W_res + b_res)
    x = jax.nn.relu(feats @ W_0 + b_0)
    x = _att_pool(_locse(pc, x, idx, W_l0, b_l0, K), W_s0, b_s0, W_f0, b_f0)
    x = _att_pool(_locse(pc, x, idx, W_l1, b_l1, K), W_s1, b_s1, W_f1, b_f1)
    x = jax.nn.relu(x @ W_1 + b_1)
    return jax.nn.leaky_relu(x + y, negative_slope=0.2)

if __name__ == "__main__":
    import jax
    _d = setup_inputs()
    print(jax.jit(kernel)(*tuple(_d.values())))

</pallas_src>

<mosaic_0001>
#map = affine_map<(d0, d1) -> (0, 0)>
#map1 = affine_map<(d0, d1) -> (0)>
module attributes {stable_mosaic.version = 14 : i64} {
  func.func @body(%arg0: i32, %arg1: i32, %arg2: memref<8192x128xf32, #tpu.memory_space<hbm>>, %arg3: memref<131072xi32, #tpu.memory_space<hbm>>, %arg4: memref<131072x128xf32, #tpu.memory_space<hbm>>, %arg5: memref<128xi32, #tpu.memory_space<vmem>>, %arg6: memref<128xi32, #tpu.memory_space<vmem>>, %arg7: memref<128x128xf32, #tpu.memory_space<vmem>>, %arg8: memref<128x128xf32, #tpu.memory_space<vmem>>, %arg9: memref<!tpu.dma_semaphore, #tpu.memory_space<semaphore_mem>>, %arg10: memref<!tpu.dma_semaphore, #tpu.memory_space<semaphore_mem>>) attributes {dimension_semantics = [#tpu.dimension_semantics<core_parallel>, #tpu.dimension_semantics<subcore_parallel>], iteration_bounds = array<i64: 2, 16>, scalar_prefetch = 0 : i64, scratch_operands = 6 : i64, tpu.core_type = #tpu.core_type<sc_vector_subcore>, window_params = [{transform_indices = #map}, {transform_indices = #map1}, {transform_indices = #map}]} {
    %mul3A = arith.constant 2 : i32
    %mul3A_0 = arith.muli %arg1, %mul3A : i32
    %add3A = arith.addi %mul3A_0, %arg0 : i32
    %scan3A = arith.constant 0 : i32
    %scan3A_1 = arith.constant 0 : i32
    %scan3A_2 = arith.constant 16 : i32
    %scan3A_3 = arith.addi %scan3A_1, %scan3A_2 : i32
    %scan3A_4 = arith.constant 1 : i32
    scf.for %scan3A_6 = %scan3A_1 to %scan3A_3 step %scan3A_4  : i32 {
      %mul3A_7 = arith.constant 4096 : i32
      %mul3A_8 = arith.muli %add3A, %mul3A_7 : i32
      %mul3A_9 = arith.constant 2 : i32
      %mul3A_10 = arith.muli %mul3A_9, %scan3A_6 : i32
      %add3A_11 = arith.constant 0 : i32
      %add3A_12 = arith.addi %mul3A_10, %add3A_11 : i32
      %mul3A_13 = arith.constant 128 : i32
      %mul3A_14 = arith.muli %add3A_12, %mul3A_13 : i32
      %add3A_15 = arith.addi %mul3A_8, %mul3A_14 : i32
      "tpu.region"() ({
        %run_scoped3A = tpu.sem_alloc : memref<!tpu.dma_semaphore, #tpu.memory_space<semaphore_mem>>
        %dma_start3A_53 = tpu.memref_slice %arg3[%add3A_15] : memref<131072xi32, #tpu.memory_space<hbm>> -> memref<128xi32, #tpu.memory_space<hbm>>
        %dma_start3A_54 = tpu.memref_slice %arg3[%add3A_15] : memref<131072xi32, #tpu.memory_space<hbm>> -> memref<128xi32, #tpu.memory_space<hbm>>
        tpu.enqueue_dma source(%dma_start3A_54 : memref<128xi32, #tpu.memory_space<hbm>>) target(%arg5 : memref<128xi32, #tpu.memory_space<vmem>>) target_semaphore(%run_scoped3A : memref<!tpu.dma_semaphore, #tpu.memory_space<semaphore_mem>>)
        %dma_wait3A_55 = tpu.memref_slice %arg3[%add3A_15] : memref<131072xi32, #tpu.memory_space<hbm>> -> memref<128xi32, #tpu.memory_space<hbm>>
        %dma_wait3A_56 = tpu.memref_slice %arg3[%add3A_15] : memref<131072xi32, #tpu.memory_space<hbm>> -> memref<128xi32, #tpu.memory_space<hbm>>
        tpu.wait_dma2 semaphore(%run_scoped3A : memref<!tpu.dma_semaphore, #tpu.memory_space<semaphore_mem>>) src(%dma_wait3A_56 : memref<128xi32, #tpu.memory_space<hbm>>) dst(%arg5 : memref<128xi32, #tpu.memory_space<vmem>>)
        tpu.yield
      }) : () -> ()
      %dma_start3A = arith.constant 0 : i32
      %dma_start3A_16 = arith.constant 0 : i32
      %dma_start3A_17 = tpu.memref_slice %arg2[%dma_start3A, %dma_start3A_16] : memref<8192x128xf32, #tpu.memory_space<hbm>> -> memref<8192x128xf32, #tpu.memory_space<hbm>>
      tpu.enqueue_indirect_dma source(%dma_start3A_17 : memref<8192x128xf32, #tpu.memory_space<hbm>>) target(%arg7 : memref<128x128xf32, #tpu.memory_space<vmem>>) offsets(%arg5 : memref<128xi32, #tpu.memory_space<vmem>>) semaphore(%arg9 : memref<!tpu.dma_semaphore, #tpu.memory_space<semaphore_mem>>)
      %mul3A_18 = arith.constant 4096 : i32
      %mul3A_19 = arith.muli %add3A, %mul3A_18 : i32
      %mul3A_20 = arith.constant 2 : i32
      %mul3A_21 = arith.muli %mul3A_20, %scan3A_6 : i32
      %add3A_22 = arith.constant 1 : i32
      %add3A_23 = arith.addi %mul3A_21, %add3A_22 : i32
      %mul3A_24 = arith.constant 128 : i32
      %mul3A_25 = arith.muli %add3A_23, %mul3A_24 : i32
      %add3A_26 = arith.addi %mul3A_19, %mul3A_25 : i32
      "tpu.region"() ({
        %run_scoped3A = tpu.sem_alloc : memref<!tpu.dma_semaphore, #tpu.memory_space<semaphore_mem>>
        %dma_start3A_53 = tpu.memref_slice %arg3[%add3A_26] : memref<131072xi32, #tpu.memory_space<hbm>> -> memref<128xi32, #tpu.memory_space<hbm>>
        %dma_start3A_54 = tpu.memref_slice %arg3[%add3A_26] : memref<131072xi32, #tpu.memory_space<hbm>> -> memref<128xi32, #tpu.memory_space<hbm>>
        tpu.enqueue_dma source(%dma_start3A_54 : memref<128xi32, #tpu.memory_space<hbm>>) target(%arg6 : memref<128xi32, #tpu.memory_space<vmem>>) target_semaphore(%run_scoped3A : memref<!tpu.dma_semaphore, #tpu.memory_space<semaphore_mem>>)
        %dma_wait3A_55 = tpu.memref_slice %arg3[%add3A_26] : memref<131072xi32, #tpu.memory_space<hbm>> -> memref<128xi32, #tpu.memory_space<hbm>>
        %dma_wait3A_56 = tpu.memref_slice %arg3[%add3A_26] : memref<131072xi32, #tpu.memory_space<hbm>> -> memref<128xi32, #tpu.memory_space<hbm>>
        tpu.wait_dma2 semaphore(%run_scoped3A : memref<!tpu.dma_semaphore, #tpu.memory_space<semaphore_mem>>) src(%dma_wait3A_56 : memref<128xi32, #tpu.memory_space<hbm>>) dst(%arg6 : memref<128xi32, #tpu.memory_space<vmem>>)
        tpu.yield
      }) : () -> ()
      %dma_start3A_27 = arith.constant 0 : i32
      %dma_start3A_28 = arith.constant 0 : i32
      %dma_start3A_29 = tpu.memref_slice %arg2[%dma_start3A_27, %dma_start3A_28] : memref<8192x128xf32, #tpu.memory_space<hbm>> -> memref<8192x128xf32, #tpu.memory_space<hbm>>
      tpu.enqueue_indirect_dma source(%dma_start3A_29 : memref<8192x128xf32, #tpu.memory_space<hbm>>) target(%arg8 : memref<128x128xf32, #tpu.memory_space<vmem>>) offsets(%arg6 : memref<128xi32, #tpu.memory_space<vmem>>) semaphore(%arg10 : memref<!tpu.dma_semaphore, #tpu.memory_space<semaphore_mem>>)
      %dma_wait3A = arith.constant 0 : i32
      %dma_wait3A_30 = arith.constant 0 : i32
      %dma_wait3A_31 = tpu.memref_slice %arg2[%dma_wait3A, %dma_wait3A_30] : memref<8192x128xf32, #tpu.memory_space<hbm>> -> memref<8192x128xf32, #tpu.memory_space<hbm>>
      tpu.wait_indirect_dma semaphore(%arg9 : memref<!tpu.dma_semaphore, #tpu.memory_space<semaphore_mem>>) src(%dma_wait3A_31 : memref<8192x128xf32, #tpu.memory_space<hbm>>) dst(%arg7 : memref<128x128xf32, #tpu.memory_space<vmem>>)
      %mul3A_32 = arith.constant 4096 : i32
      %mul3A_33 = arith.muli %add3A, %mul3A_32 : i32
      %mul3A_34 = arith.constant 2 : i32
      %mul3A_35 = arith.muli %mul3A_34, %scan3A_6 : i32
      %add3A_36 = arith.constant 0 : i32
      %add3A_37 = arith.addi %mul3A_35, %add3A_36 : i32
      %mul3A_38 = arith.constant 128 : i32
      %mul3A_39 = arith.muli %add3A_37, %mul3A_38 : i32
      %add3A_40 = arith.addi %mul3A_33, %mul3A_39 : i32
      "tpu.region"() ({
        %run_scoped3A = tpu.sem_alloc : memref<!tpu.dma_semaphore, #tpu.memory_space<semaphore_mem>>
        %dma_start3A_53 = arith.constant 0 : i32
        %dma_start3A_54 = tpu.memref_slice %arg4[%add3A_40, %dma_start3A_53] : memref<131072x128xf32, #tpu.memory_space<hbm>> -> memref<128x128xf32, #tpu.memory_space<hbm>>
        %dma_start3A_55 = arith.constant 0 : i32
        %dma_start3A_56 = tpu.memref_slice %arg4[%add3A_40, %dma_start3A_55] : memref<131072x128xf32, #tpu.memory_space<hbm>> -> memref<128x128xf32, #tpu.memory_space<hbm>>
        tpu.enqueue_dma source(%arg7 : memref<128x128xf32, #tpu.memory_space<vmem>>) target(%dma_start3A_56 : memref<128x128xf32, #tpu.memory_space<hbm>>) target_semaphore(%run_scoped3A : memref<!tpu.dma_semaphore, #tpu.memory_space<semaphore_mem>>)
        %dma_wait3A_57 = arith.constant 0 : i32
        %dma_wait3A_58 = tpu.memref_slice %arg4[%add3A_40, %dma_wait3A_57] : memref<131072x128xf32, #tpu.memory_space<hbm>> -> memref<128x128xf32, #tpu.memory_space<hbm>>
        %dma_wait3A_59 = arith.constant 0 : i32
        %dma_wait3A_60 = tpu.memref_slice %arg4[%add3A_40, %dma_wait3A_59] : memref<131072x128xf32, #tpu.memory_space<hbm>> -> memref<128x128xf32, #tpu.memory_space<hbm>>
        tpu.wait_dma2 semaphore(%run_scoped3A : memref<!tpu.dma_semaphore, #tpu.memory_space<semaphore_mem>>) src(%arg7 : memref<128x128xf32, #tpu.memory_space<vmem>>) dst(%dma_wait3A_60 : memref<128x128xf32, #tpu.memory_space<hbm>>)
        tpu.yield
      }) : () -> ()
      %dma_wait3A_41 = arith.constant 0 : i32
      %dma_wait3A_42 = arith.constant 0 : i32
      %dma_wait3A_43 = tpu.memref_slice %arg2[%dma_wait3A_41, %dma_wait3A_42] : memref<8192x128xf32, #tpu.memory_space<hbm>> -> memref<8192x128xf32, #tpu.memory_space<hbm>>
      tpu.wait_indirect_dma semaphore(%arg10 : memref<!tpu.dma_semaphore, #tpu.memory_space<semaphore_mem>>) src(%dma_wait3A_43 : memref<8192x128xf32, #tpu.memory_space<hbm>>) dst(%arg8 : memref<128x128xf32, #tpu.memory_space<vmem>>)
      %mul3A_44 = arith.constant 4096 : i32
      %mul3A_45 = arith.muli %add3A, %mul3A_44 : i32
      %mul3A_46 = arith.constant 2 : i32
      %mul3A_47 = arith.muli %mul3A_46, %scan3A_6 : i32
      %add3A_48 = arith.constant 1 : i32
      %add3A_49 = arith.addi %mul3A_47, %add3A_48 : i32
      %mul3A_50 = arith.constant 128 : i32
      %mul3A_51 = arith.muli %add3A_49, %mul3A_50 : i32
      %add3A_52 = arith.addi %mul3A_45, %mul3A_51 : i32
      "tpu.region"() ({
        %run_scoped3A = tpu.sem_alloc : memref<!tpu.dma_semaphore, #tpu.memory_space<semaphore_mem>>
        %dma_start3A_53 = arith.constant 0 : i32
        %dma_start3A_54 = tpu.memref_slice %arg4[%add3A_52, %dma_start3A_53] : memref<131072x128xf32, #tpu.memory_space<hbm>> -> memref<128x128xf32, #tpu.memory_space<hbm>>
        %dma_start3A_55 = arith.constant 0 : i32
        %dma_start3A_56 = tpu.memref_slice %arg4[%add3A_52, %dma_start3A_55] : memref<131072x128xf32, #tpu.memory_space<hbm>> -> memref<128x128xf32, #tpu.memory_space<hbm>>
        tpu.enqueue_dma source(%arg8 : memref<128x128xf32, #tpu.memory_space<vmem>>) target(%dma_start3A_56 : memref<128x128xf32, #tpu.memory_space<hbm>>) target_semaphore(%run_scoped3A : memref<!tpu.dma_semaphore, #tpu.memory_space<semaphore_mem>>)
        %dma_wait3A_57 = arith.constant 0 : i32
        %dma_wait3A_58 = tpu.memref_slice %arg4[%add3A_52, %dma_wait3A_57] : memref<131072x128xf32, #tpu.memory_space<hbm>> -> memref<128x128xf32, #tpu.memory_space<hbm>>
        %dma_wait3A_59 = arith.constant 0 : i32
        %dma_wait3A_60 = tpu.memref_slice %arg4[%add3A_52, %dma_wait3A_59] : memref<131072x128xf32, #tpu.memory_space<hbm>> -> memref<128x128xf32, #tpu.memory_space<hbm>>
        tpu.wait_dma2 semaphore(%run_scoped3A : memref<!tpu.dma_semaphore, #tpu.memory_space<semaphore_mem>>) src(%arg8 : memref<128x128xf32, #tpu.memory_space<vmem>>) dst(%dma_wait3A_60 : memref<128x128xf32, #tpu.memory_space<hbm>>)
        tpu.yield
      }) : () -> ()
    }
    %scan3A_5 = arith.constant 16 : i32
    return
  }
}

#map = affine_map<(d0, d1) -> (0, 0)>
#map1 = affine_map<(d0, d1) -> (0)>
module attributes {stable_mosaic.version = 14 : i64} {
  func.func @body(%arg0: i32, %arg1: i32, %arg2: memref<8192x128xf32, #tpu.memory_space<hbm>>, %arg3: memref<8192x128xf32, #tpu.memory_space<hbm>>, %arg4: memref<131072xi32, #tpu.memory_space<hbm>>, %arg5: memref<131072x128xf32, #tpu.memory_space<hbm>>, %arg6: memref<131072x128xf32, #tpu.memory_space<hbm>>, %arg7: memref<128xi32, #tpu.memory_space<vmem>>, %arg8: memref<128xi32, #tpu.memory_space<vmem>>, %arg9: memref<128x128xf32, #tpu.memory_space<vmem>>, %arg10: memref<128x128xf32, #tpu.memory_space<vmem>>, %arg11: memref<128x128xf32, #tpu.memory_space<vmem>>, %arg12: memref<128x128xf32, #tpu.memory_space<vmem>>, %arg13: memref<!tpu.dma_semaphore, #tpu.memory_space<semaphore_mem>>, %arg14: memref<!tpu.dma_semaphore, #tpu.memory_space<semaphore_mem>>) attributes {dimension_semantics = [#tpu.dimension_semantics<core_parallel>, #tpu.dimension_semantics<subcore_parallel>], iteration_bounds = array<i64: 2, 16>, scalar_prefetch = 0 : i64, scratch_operands = 8 : i64, tpu.core_type = #tpu.core_type<sc_vector_subcore>, window_params = [{transform_indices = #map}, {transform_indices = #map}, {transform_indices = #map1}, {transform_indices = #map}, {transform_indices = #map}]} {
    %mul3A = arith.constant 2 : i32
    %mul3A_0 = arith.muli %arg1, %mul3A : i32
    %add3A = arith.addi %mul3A_0, %arg0 : i32
    %scan3A = arith.constant 0 : i32
    %scan3A_1 = arith.constant 0 : i32
    %scan3A_2 = arith.constant 16 : i32
    %scan3A_3 = arith.addi %scan3A_1, %scan3A_2 : i32
    %scan3A_4 = arith.constant 1 : i32
    scf.for %scan3A_6 = %scan3A_1 to %scan3A_3 step %scan3A_4  : i32 {
      %mul3A_7 = arith.constant 4096 : i32
      %mul3A_8 = arith.muli %add3A, %mul3A_7 : i32
      %mul3A_9 = arith.constant 2 : i32
      %mul3A_10 = arith.muli %mul3A_9, %scan3A_6 : i32
      %add3A_11 = arith.constant 0 : i32
      %add3A_12 = arith.addi %mul3A_10, %add3A_11 : i32
      %mul3A_13 = arith.constant 128 : i32
      %mul3A_14 = arith.muli %add3A_12, %mul3A_13 : i32
      %add3A_15 = arith.addi %mul3A_8, %mul3A_14 : i32
      "tpu.region"() ({
        %run_scoped3A = tpu.sem_alloc : memref<!tpu.dma_semaphore, #tpu.memory_space<semaphore_mem>>
        %dma_start3A_65 = tpu.memref_slice %arg4[%add3A_15] : memref<131072xi32, #tpu.memory_space<hbm>> -> memref<128xi32, #tpu.memory_space<hbm>>
        %dma_start3A_66 = tpu.memref_slice %arg4[%add3A_15] : memref<131072xi32, #tpu.memory_space<hbm>> -> memref<128xi32, #tpu.memory_space<hbm>>
        tpu.enqueue_dma source(%dma_start3A_66 : memref<128xi32, #tpu.memory_space<hbm>>) target(%arg7 : memref<128xi32, #tpu.memory_space<vmem>>) target_semaphore(%run_scoped3A : memref<!tpu.dma_semaphore, #tpu.memory_space<semaphore_mem>>)
        %dma_wait3A_67 = tpu.memref_slice %arg4[%add3A_15] : memref<131072xi32, #tpu.memory_space<hbm>> -> memref<128xi32, #tpu.memory_space<hbm>>
        %dma_wait3A_68 = tpu.memref_slice %arg4[%add3A_15] : memref<131072xi32, #tpu.memory_space<hbm>> -> memref<128xi32, #tpu.memory_space<hbm>>
        tpu.wait_dma2 semaphore(%run_scoped3A : memref<!tpu.dma_semaphore, #tpu.memory_space<semaphore_mem>>) src(%dma_wait3A_68 : memref<128xi32, #tpu.memory_space<hbm>>) dst(%arg7 : memref<128xi32, #tpu.memory_space<vmem>>)
        tpu.yield
      }) : () -> ()
      %dma_start3A = arith.constant 0 : i32
      %dma_start3A_16 = arith.constant 0 : i32
      %dma_start3A_17 = tpu.memref_slice %arg2[%dma_start3A, %dma_start3A_16] : memref<8192x128xf32, #tpu.memory_space<hbm>> -> memref<8192x128xf32, #tpu.memory_space<hbm>>
      tpu.enqueue_indirect_dma source(%dma_start3A_17 : memref<8192x128xf32, #tpu.memory_space<hbm>>) target(%arg9 : memref<128x128xf32, #tpu.memory_space<vmem>>) offsets(%arg7 : memref<128xi32, #tpu.memory_space<vmem>>) semaphore(%arg13 : memref<!tpu.dma_semaphore, #tpu.memory_space<semaphore_mem>>)
      %dma_start3A_18 = arith.constant 0 : i32
      %dma_start3A_19 = arith.constant 0 : i32
      %dma_start3A_20 = tpu.memref_slice %arg3[%dma_start3A_18, %dma_start3A_19] : memref<8192x128xf32, #tpu.memory_space<hbm>> -> memref<8192x128xf32, #tpu.memory_space<hbm>>
      tpu.enqueue_indirect_dma source(%dma_start3A_20 : memref<8192x128xf32, #tpu.memory_space<hbm>>) target(%arg10 : memref<128x128xf32, #tpu.memory_space<vmem>>) offsets(%arg7 : memref<128xi32, #tpu.memory_space<vmem>>) semaphore(%arg13 : memref<!tpu.dma_semaphore, #tpu.memory_space<semaphore_mem>>)
      %mul3A_21 = arith.constant 4096 : i32
      %mul3A_22 = arith.muli %add3A, %mul3A_21 : i32
      %mul3A_23 = arith.constant 2 : i32
      %mul3A_24 = arith.muli %mul3A_23, %scan3A_6 : i32
      %add3A_25 = arith.constant 1 : i32
      %add3A_26 = arith.addi %mul3A_24, %add3A_25 : i32
      %mul3A_27 = arith.constant 128 : i32
      %mul3A_28 = arith.muli %add3A_26, %mul3A_27 : i32
      %add3A_29 = arith.addi %mul3A_22, %mul3A_28 : i32
      "tpu.region"() ({
        %run_scoped3A = tpu.sem_alloc : memref<!tpu.dma_semaphore, #tpu.memory_space<semaphore_mem>>
        %dma_start3A_65 = tpu.memref_slice %arg4[%add3A_29] : memref<131072xi32, #tpu.memory_space<hbm>> -> memref<128xi32, #tpu.memory_space<hbm>>
        %dma_start3A_66 = tpu.memref_slice %arg4[%add3A_29] : memref<131072xi32, #tpu.memory_space<hbm>> -> memref<128xi32, #tpu.memory_space<hbm>>
        tpu.enqueue_dma source(%dma_start3A_66 : memref<128xi32, #tpu.memory_space<hbm>>) target(%arg8 : memref<128xi32, #tpu.memory_space<vmem>>) target_semaphore(%run_scoped3A : memref<!tpu.dma_semaphore, #tpu.memory_space<semaphore_mem>>)
        %dma_wait3A_67 = tpu.memref_slice %arg4[%add3A_29] : memref<131072xi32, #tpu.memory_space<hbm>> -> memref<128xi32, #tpu.memory_space<hbm>>
        %dma_wait3A_68 = tpu.memref_slice %arg4[%add3A_29] : memref<131072xi32, #tpu.memory_space<hbm>> -> memref<128xi32, #tpu.memory_space<hbm>>
        tpu.wait_dma2 semaphore(%run_scoped3A : memref<!tpu.dma_semaphore, #tpu.memory_space<semaphore_mem>>) src(%dma_wait3A_68 : memref<128xi32, #tpu.memory_space<hbm>>) dst(%arg8 : memref<128xi32, #tpu.memory_space<vmem>>)
        tpu.yield
      }) : () -> ()
      %dma_start3A_30 = arith.constant 0 : i32
      %dma_start3A_31 = arith.constant 0 : i32
      %dma_start3A_32 = tpu.memref_slice %arg2[%dma_start3A_30, %dma_start3A_31] : memref<8192x128xf32, #tpu.memory_space<hbm>> -> memref<8192x128xf32, #tpu.memory_space<hbm>>
      tpu.enqueue_indirect_dma source(%dma_start3A_32 : memref<8192x128xf32, #tpu.memory_space<hbm>>) target(%arg11 : memref<128x128xf32, #tpu.memory_space<vmem>>) offsets(%arg8 : memref<128xi32, #tpu.memory_space<vmem>>) semaphore(%arg14 : memref<!tpu.dma_semaphore, #tpu.memory_space<semaphore_mem>>)
      %dma_start3A_33 = arith.constant 0 : i32
      %dma_start3A_34 = arith.constant 0 : i32
      %dma_start3A_35 = tpu.memref_slice %arg3[%dma_start3A_33, %dma_start3A_34] : memref<8192x128xf32, #tpu.memory_space<hbm>> -> memref<8192x128xf32, #tpu.memory_space<hbm>>
      tpu.enqueue_indirect_dma source(%dma_start3A_35 : memref<8192x128xf32, #tpu.memory_space<hbm>>) target(%arg12 : memref<128x128xf32, #tpu.memory_space<vmem>>) offsets(%arg8 : memref<128xi32, #tpu.memory_space<vmem>>) semaphore(%arg14 : memref<!tpu.dma_semaphore, #tpu.memory_space<semaphore_mem>>)
      %dma_wait3A = arith.constant 0 : i32
      %dma_wait3A_36 = arith.constant 0 : i32
      %dma_wait3A_37 = tpu.memref_slice %arg2[%dma_wait3A, %dma_wait3A_36] : memref<8192x128xf32, #tpu.memory_space<hbm>> -> memref<8192x128xf32, #tpu.memory_space<hbm>>
      tpu.wait_indirect_dma semaphore(%arg13 : memref<!tpu.dma_semaphore, #tpu.memory_space<semaphore_mem>>) src(%dma_wait3A_37 : memref<8192x128xf32, #tpu.memory_space<hbm>>) dst(%arg9 : memref<128x128xf32, #tpu.memory_space<vmem>>)
      %dma_wait3A_38 = arith.constant 0 : i32
      %dma_wait3A_39 = arith.constant 0 : i32
      %dma_wait3A_40 = tpu.memref_slice %arg3[%dma_wait3A_38, %dma_wait3A_39] : memref<8192x128xf32, #tpu.memory_space<hbm>> -> memref<8192x128xf32, #tpu.memory_space<hbm>>
      tpu.wait_indirect_dma semaphore(%arg13 : memref<!tpu.dma_semaphore, #tpu.memory_space<semaphore_mem>>) src(%dma_wait3A_40 : memref<8192x128xf32, #tpu.memory_space<hbm>>) dst(%arg10 : memref<128x128xf32, #tpu.memory_space<vmem>>)
      %mul3A_41 = arith.constant 4096 : i32
      %mul3A_42 = arith.muli %add3A, %mul3A_41 : i32
      %mul3A_43 = arith.constant 2 : i32
      %mul3A_44 = arith.muli %mul3A_43, %scan3A_6 : i32
      %add3A_45 = arith.constant 0 : i32
      %add3A_46 = arith.addi %mul3A_44, %add3A_45 : i32
      %mul3A_47 = arith.constant 128 : i32
      %mul3A_48 = arith.muli %add3A_46, %mul3A_47 : i32
      %add3A_49 = arith.addi %mul3A_42, %mul3A_48 : i32
      "tpu.region"() ({
        %run_scoped3A = tpu.sem_alloc : memref<!tpu.dma_semaphore, #tpu.memory_space<semaphore_mem>>
        %dma_start3A_65 = arith.constant 0 : i32
        %dma_start3A_66 = tpu.memref_slice %arg5[%add3A_49, %dma_start3A_65] : memref<131072x128xf32, #tpu.memory_space<hbm>> -> memref<128x128xf32, #tpu.memory_space<hbm>>
        %dma_start3A_67 = arith.constant 0 : i32
        %dma_start3A_68 = tpu.memref_slice %arg5[%add3A_49, %dma_start3A_67] : memref<131072x128xf32, #tpu.memory_space<hbm>> -> memref<128x128xf32, #tpu.memory_space<hbm>>
        tpu.enqueue_dma source(%arg9 : memref<128x128xf32, #tpu.memory_space<vmem>>) target(%dma_start3A_68 : memref<128x128xf32, #tpu.memory_space<hbm>>) target_semaphore(%run_scoped3A : memref<!tpu.dma_semaphore, #tpu.memory_space<semaphore_mem>>)
        %dma_wait3A_69 = arith.constant 0 : i32
        %dma_wait3A_70 = tpu.memref_slice %arg5[%add3A_49, %dma_wait3A_69] : memref<131072x128xf32, #tpu.memory_space<hbm>> -> memref<128x128xf32, #tpu.memory_space<hbm>>
        %dma_wait3A_71 = arith.constant 0 : i32
        %dma_wait3A_72 = tpu.memref_slice %arg5[%add3A_49, %dma_wait3A_71] : memref<131072x128xf32, #tpu.memory_space<hbm>> -> memref<128x128xf32, #tpu.memory_space<hbm>>
        tpu.wait_dma2 semaphore(%run_scoped3A : memref<!tpu.dma_semaphore, #tpu.memory_space<semaphore_mem>>) src(%arg9 : memref<128x128xf32, #tpu.memory_space<vmem>>) dst(%dma_wait3A_72 : memref<128x128xf32, #tpu.memory_space<hbm>>)
        tpu.yield
      }) : () -> ()
      "tpu.region"() ({
        %run_scoped3A = tpu.sem_alloc : memref<!tpu.dma_semaphore, #tpu.memory_space<semaphore_mem>>
        %dma_start3A_65 = arith.constant 0 : i32
        %dma_start3A_66 = tpu.memref_slice %arg6[%add3A_49, %dma_start3A_65] : memref<131072x128xf32, #tpu.memory_space<hbm>> -> memref<128x128xf32, #tpu.memory_space<hbm>>
        %dma_start3A_67 = arith.constant 0 : i32
        %dma_start3A_68 = tpu.memref_slice %arg6[%add3A_49, %dma_start3A_67] : memref<131072x128xf32, #tpu.memory_space<hbm>> -> memref<128x128xf32, #tpu.memory_space<hbm>>
        tpu.enqueue_dma source(%arg10 : memref<128x128xf32, #tpu.memory_space<vmem>>) target(%dma_start3A_68 : memref<128x128xf32, #tpu.memory_space<hbm>>) target_semaphore(%run_scoped3A : memref<!tpu.dma_semaphore, #tpu.memory_space<semaphore_mem>>)
        %dma_wait3A_69 = arith.constant 0 : i32
        %dma_wait3A_70 = tpu.memref_slice %arg6[%add3A_49, %dma_wait3A_69] : memref<131072x128xf32, #tpu.memory_space<hbm>> -> memref<128x128xf32, #tpu.memory_space<hbm>>
        %dma_wait3A_71 = arith.constant 0 : i32
        %dma_wait3A_72 = tpu.memref_slice %arg6[%add3A_49, %dma_wait3A_71] : memref<131072x128xf32, #tpu.memory_space<hbm>> -> memref<128x128xf32, #tpu.memory_space<hbm>>
        tpu.wait_dma2 semaphore(%run_scoped3A : memref<!tpu.dma_semaphore, #tpu.memory_space<semaphore_mem>>) src(%arg10 : memref<128x128xf32, #tpu.memory_space<vmem>>) dst(%dma_wait3A_72 : memref<128x128xf32, #tpu.memory_space<hbm>>)
        tpu.yield
      }) : () -> ()
      %dma_wait3A_50 = arith.constant 0 : i32
      %dma_wait3A_51 = arith.constant 0 : i32
      %dma_wait3A_52 = tpu.memref_slice %arg2[%dma_wait3A_50, %dma_wait3A_51] : memref<8192x128xf32, #tpu.memory_space<hbm>> -> memref<8192x128xf32, #tpu.memory_space<hbm>>
      tpu.wait_indirect_dma semaphore(%arg14 : memref<!tpu.dma_semaphore, #tpu.memory_space<semaphore_mem>>) src(%dma_wait3A_52 : memref<8192x128xf32, #tpu.memory_space<hbm>>) dst(%arg11 : memref<128x128xf32, #tpu.memory_space<vmem>>)
      %dma_wait3A_53 = arith.constant 0 : i32
      %dma_wait3A_54 = arith.constant 0 : i32
      %dma_wait3A_55 = tpu.memref_slice %arg3[%dma_wait3A_53, %dma_wait3A_54] : memref<8192x128xf32, #tpu.memory_space<hbm>> -> memref<8192x128xf32, #tpu.memory_space<hbm>>
      tpu.wait_indirect_dma semaphore(%arg14 : memref<!tpu.dma_semaphore, #tpu.memory_space<semaphore_mem>>) src(%dma_wait3A_55 : memref<8192x128xf32, #tpu.memory_space<hbm>>) dst(%arg12 : memref<128x128xf32, #tpu.memory_space<vmem>>)
      %mul3A_56 = arith.constant 4096 : i32
      %mul3A_57 = arith.muli %add3A, %mul3A_56 : i32
      %mul3A_58 = arith.constant 2 : i32
      %mul3A_59 = arith.muli %mul3A_58, %scan3A_6 : i32
      %add3A_60 = arith.constant 1 : i32
      %add3A_61 = arith.addi %mul3A_59, %add3A_60 : i32
      %mul3A_62 = arith.constant 128 : i32
      %mul3A_63 = arith.muli %add3A_61, %mul3A_62 : i32
      %add3A_64 = arith.addi %mul3A_57, %mul3A_63 : i32
      "tpu.region"() ({
        %run_scoped3A = tpu.sem_alloc : memref<!tpu.dma_semaphore, #tpu.memory_space<semaphore_mem>>
        %dma_start3A_65 = arith.constant 0 : i32
        %dma_start3A_66 = tpu.memref_slice %arg5[%add3A_64, %dma_start3A_65] : memref<131072x128xf32, #tpu.memory_space<hbm>> -> memref<128x128xf32, #tpu.memory_space<hbm>>
        %dma_start3A_67 = arith.constant 0 : i32
        %dma_start3A_68 = tpu.memref_slice %arg5[%add3A_64, %dma_start3A_67] : memref<131072x128xf32, #tpu.memory_space<hbm>> -> memref<128x128xf32, #tpu.memory_space<hbm>>
        tpu.enqueue_dma source(%arg11 : memref<128x128xf32, #tpu.memory_space<vmem>>) target(%dma_start3A_68 : memref<128x128xf32, #tpu.memory_space<hbm>>) target_semaphore(%run_scoped3A : memref<!tpu.dma_semaphore, #tpu.memory_space<semaphore_mem>>)
        %dma_wait3A_69 = arith.constant 0 : i32
        %dma_wait3A_70 = tpu.memref_slice %arg5[%add3A_64, %dma_wait3A_69] : memref<131072x128xf32, #tpu.memory_space<hbm>> -> memref<128x128xf32, #tpu.memory_space<hbm>>
        %dma_wait3A_71 = arith.constant 0 : i32
        %dma_wait3A_72 = tpu.memref_slice %arg5[%add3A_64, %dma_wait3A_71] : memref<131072x128xf32, #tpu.memory_space<hbm>> -> memref<128x128xf32, #tpu.memory_space<hbm>>
        tpu.wait_dma2 semaphore(%run_scoped3A : memref<!tpu.dma_semaphore, #tpu.memory_space<semaphore_mem>>) src(%arg11 : memref<128x128xf32, #tpu.memory_space<vmem>>) dst(%dma_wait3A_72 : memref<128x128xf32, #tpu.memory_space<hbm>>)
        tpu.yield
      }) : () -> ()
      "tpu.region"() ({
        %run_scoped3A = tpu.sem_alloc : memref<!tpu.dma_semaphore, #tpu.memory_space<semaphore_mem>>
        %dma_start3A_65 = arith.constant 0 : i32
        %dma_start3A_66 = tpu.memref_slice %arg6[%add3A_64, %dma_start3A_65] : memref<131072x128xf32, #tpu.memory_space<hbm>> -> memref<128x128xf32, #tpu.memory_space<hbm>>
        %dma_start3A_67 = arith.constant 0 : i32
        %dma_start3A_68 = tpu.memref_slice %arg6[%add3A_64, %dma_start3A_67] : memref<131072x128xf32, #tpu.memory_space<hbm>> -> memref<128x128xf32, #tpu.memory_space<hbm>>
        tpu.enqueue_dma source(%arg12 : memref<128x128xf32, #tpu.memory_space<vmem>>) target(%dma_start3A_68 : memref<128x128xf32, #tpu.memory_space<hbm>>) target_semaphore(%run_scoped3A : memref<!tpu.dma_semaphore, #tpu.memory_space<semaphore_mem>>)
        %dma_wait3A_69 = arith.constant 0 : i32
        %dma_wait3A_70 = tpu.memref_slice %arg6[%add3A_64, %dma_wait3A_69] : memref<131072x128xf32, #tpu.memory_space<hbm>> -> memref<128x128xf32, #tpu.memory_space<hbm>>
        %dma_wait3A_71 = arith.constant 0 : i32
        %dma_wait3A_72 = tpu.memref_slice %arg6[%add3A_64, %dma_wait3A_71] : memref<131072x128xf32, #tpu.memory_space<hbm>> -> memref<128x128xf32, #tpu.memory_space<hbm>>
        tpu.wait_dma2 semaphore(%run_scoped3A : memref<!tpu.dma_semaphore, #tpu.memory_space<semaphore_mem>>) src(%arg12 : memref<128x128xf32, #tpu.memory_space<vmem>>) dst(%dma_wait3A_72 : memref<128x128xf32, #tpu.memory_space<hbm>>)
        tpu.yield
      }) : () -> ()
    }
    %scan3A_5 = arith.constant 16 : i32
    return
  }
}

module attributes {stable_mosaic.version = 14 : i64} {
  func.func @_knn_body(%arg0: i32, %arg1: i32, %arg2: memref<1x256x8xf32, #tpu.memory_space<vmem>>, %arg3: memref<1x8x2048xf32, #tpu.memory_space<vmem>>, %arg4: memref<1x256x16xi32, #tpu.memory_space<vmem>>) attributes {dimension_semantics = [#tpu.dimension_semantics<arbitrary>, #tpu.dimension_semantics<arbitrary>], iteration_bounds = array<i64: 4, 8>, scalar_prefetch = 0 : i64, scratch_operands = 0 : i64, tpu.core_type = #tpu.core_type<tc>, window_params = [{transform_indices = @transform_0, window_bounds = array<i64: 1, 256, 8>}, {transform_indices = @transform_1, window_bounds = array<i64: 1, 8, 2048>}, {transform_indices = @transform_2, window_bounds = array<i64: 1, 256, 16>}]} {
    %get3A = arith.constant 0 : index
    %get3A_0 = arith.constant 0 : index
    %get3A_1 = arith.constant 0 : index
    %get3A_2 = vector.load %arg2[%get3A, %get3A_0, %get3A_1] : memref<1x256x8xf32, #tpu.memory_space<vmem>>, vector<1x256x8xf32>
    %get3A_3 = vector.shape_cast %get3A_2 : vector<1x256x8xf32> to vector<256x8xf32>
    %get3A_4 = arith.constant 0 : index
    %get3A_5 = arith.constant 0 : index
    %get3A_6 = arith.constant 0 : index
    %get3A_7 = vector.load %arg3[%get3A_4, %get3A_5, %get3A_6] : memref<1x8x2048xf32, #tpu.memory_space<vmem>>, vector<1x8x2048xf32>
    %get3A_8 = vector.shape_cast %get3A_7 : vector<1x8x2048xf32> to vector<8x2048xf32>
    %broadcast_in_dim3A = arith.constant 0.000000e+00 : f32
    %broadcast_in_dim3A_9 = vector.broadcast %broadcast_in_dim3A : f32 to vector<256x2048xf32>
    %slice3A = vector.extract_strided_slice %get3A_3 {offsets = [0, 0], sizes = [256, 1], strides = [1, 1]} : vector<256x8xf32> to vector<256x1xf32>
    %slice3A_10 = vector.extract_strided_slice %get3A_8 {offsets = [0, 0], sizes = [1, 2048], strides = [1, 1]} : vector<8x2048xf32> to vector<1x2048xf32>
    %sub3A = vector.broadcast %slice3A : vector<256x1xf32> to vector<256x2048xf32>
    %sub3A_11 = vector.broadcast %slice3A_10 : vector<1x2048xf32> to vector<256x2048xf32>
    %sub3A_12 = arith.subf %sub3A, %sub3A_11 : vector<256x2048xf32>
    %mul3A = arith.mulf %sub3A_12, %sub3A_12 : vector<256x2048xf32>
    %add3A = arith.addf %broadcast_in_dim3A_9, %mul3A : vector<256x2048xf32>
    %slice3A_13 = vector.extract_strided_slice %get3A_3 {offsets = [0, 1], sizes = [256, 1], strides = [1, 1]} : vector<256x8xf32> to vector<256x1xf32>
    %slice3A_14 = vector.extract_strided_slice %get3A_8 {offsets = [1, 0], sizes = [1, 2048], strides = [1, 1]} : vector<8x2048xf32> to vector<1x2048xf32>
    %sub3A_15 = vector.broadcast %slice3A_13 : vector<256x1xf32> to vector<256x2048xf32>
    %sub3A_16 = vector.broadcast %slice3A_14 : vector<1x2048xf32> to vector<256x2048xf32>
    %sub3A_17 = arith.subf %sub3A_15, %sub3A_16 : vector<256x2048xf32>
    %mul3A_18 = arith.mulf %sub3A_17, %sub3A_17 : vector<256x2048xf32>
    %add3A_19 = arith.addf %add3A, %mul3A_18 : vector<256x2048xf32>
    %slice3A_20 = vector.extract_strided_slice %get3A_3 {offsets = [0, 2], sizes = [256, 1], strides = [1, 1]} : vector<256x8xf32> to vector<256x1xf32>
    %slice3A_21 = vector.extract_strided_slice %get3A_8 {offsets = [2, 0], sizes = [1, 2048], strides = [1, 1]} : vector<8x2048xf32> to vector<1x2048xf32>
    %sub3A_22 = vector.broadcast %slice3A_20 : vector<256x1xf32> to vector<256x2048xf32>
    %sub3A_23 = vector.broadcast %slice3A_21 : vector<1x2048xf32> to vector<256x2048xf32>
    %sub3A_24 = arith.subf %sub3A_22, %sub3A_23 : vector<256x2048xf32>
    %mul3A_25 = arith.mulf %sub3A_24, %sub3A_24 : vector<256x2048xf32>
    %add3A_26 = arith.addf %add3A_19, %mul3A_25 : vector<256x2048xf32>
    %iota3A = tpu.iota {dimensions = array<i32: 1>} : vector<256x2048xi32>
    %bitcast_convert_type3A = tpu.bitcast %add3A_26 : vector<256x2048xf32> -> vector<256x2048xi32>
    %and3A = arith.constant -2048 : i32
    %and3A_27 = vector.broadcast %and3A : i32 to vector<256x2048xi32>
    %and3A_28 = arith.andi %bitcast_convert_type3A, %and3A_27 : vector<256x2048xi32>
    %or3A = arith.ori %and3A_28, %iota3A : vector<256x2048xi32>
    %reduce_min3A = arith.constant dense<2147483647> : vector<256xi32>
    %reduce_min3A_29 = vector.multi_reduction <minsi>, %or3A, %reduce_min3A [1] : vector<256x2048xi32> to vector<256xi32>
    %broadcast_in_dim3A_30 = vector.shape_cast %reduce_min3A_29 : vector<256xi32> to vector<256x1xi32>
    %and3A_31 = arith.constant 2047 : i32
    %and3A_32 = vector.broadcast %and3A_31 : i32 to vector<256x1xi32>
    %and3A_33 = arith.andi %broadcast_in_dim3A_30, %and3A_32 : vector<256x1xi32>
    %eq3A = vector.broadcast %broadcast_in_dim3A_30 : vector<256x1xi32> to vector<256x2048xi32>
    %eq3A_34 = arith.cmpi eq, %or3A, %eq3A : vector<256x2048xi32>
    %jit3A = arith.constant 2147483647 : i32
    %broadcast_in_dim3A_35 = vector.broadcast %jit3A : i32 to vector<256x2048xi32>
    %select_n3A = arith.select %eq3A_34, %broadcast_in_dim3A_35, %or3A : vector<256x2048xi1>, vector<256x2048xi32>
    %reduce_min3A_36 = arith.constant dense<2147483647> : vector<256xi32>
    %reduce_min3A_37 = vector.multi_reduction <minsi>, %select_n3A, %reduce_min3A_36 [1] : vector<256x2048xi32> to vector<256xi32>
    %broadcast_in_dim3A_38 = vector.shape_cast %reduce_min3A_37 : vector<256xi32> to vector<256x1xi32>
    %and3A_39 = arith.constant 2047 : i32
    %and3A_40 = vector.broadcast %and3A_39 : i32 to vector<256x1xi32>
    %and3A_41 = arith.andi %broadcast_in_dim3A_38, %and3A_40 : vector<256x1xi32>
    %eq3A_42 = vector.broadcast %broadcast_in_dim3A_38 : vector<256x1xi32> to vector<256x2048xi32>
    %eq3A_43 = arith.cmpi eq, %select_n3A, %eq3A_42 : vector<256x2048xi32>
    %jit3A_44 = arith.constant 2147483647 : i32
    %broadcast_in_dim3A_45 = vector.broadcast %jit3A_44 : i32 to vector<256x2048xi32>
    %select_n3A_46 = arith.select %eq3A_43, %broadcast_in_dim3A_45, %select_n3A : vector<256x2048xi1>, vector<256x2048xi32>
    %reduce_min3A_47 = arith.constant dense<2147483647> : vector<256xi32>
    %reduce_min3A_48 = vector.multi_reduction <minsi>, %select_n3A_46, %reduce_min3A_47 [1] : vector<256x2048xi32> to vector<256xi32>
    %broadcast_in_dim3A_49 = vector.shape_cast %reduce_min3A_48 : vector<256xi32> to vector<256x1xi32>
    %and3A_50 = arith.constant 2047 : i32
    %and3A_51 = vector.broadcast %and3A_50 : i32 to vector<256x1xi32>
    %and3A_52 = arith.andi %broadcast_in_dim3A_49, %and3A_51 : vector<256x1xi32>
    %eq3A_53 = vector.broadcast %broadcast_in_dim3A_49 : vector<256x1xi32> to vector<256x2048xi32>
    %eq3A_54 = arith.cmpi eq, %select_n3A_46, %eq3A_53 : vector<256x2048xi32>
    %jit3A_55 = arith.constant 2147483647 : i32
    %broadcast_in_dim3A_56 = vector.broadcast %jit3A_55 : i32 to vector<256x2048xi32>
    %select_n3A_57 = arith.select %eq3A_54, %broadcast_in_dim3A_56, %select_n3A_46 : vector<256x2048xi1>, vector<256x2048xi32>
    %reduce_min3A_58 = arith.constant dense<2147483647> : vector<256xi32>
    %reduce_min3A_59 = vector.multi_reduction <minsi>, %select_n3A_57, %reduce_min3A_58 [1] : vector<256x2048xi32> to vector<256xi32>
    %broadcast_in_dim3A_60 = vector.shape_cast %reduce_min3A_59 : vector<256xi32> to vector<256x1xi32>
    %and3A_61 = arith.constant 2047 : i32
    %and3A_62 = vector.broadcast %and3A_61 : i32 to vector<256x1xi32>
    %and3A_63 = arith.andi %broadcast_in_dim3A_60, %and3A_62 : vector<256x1xi32>
    %eq3A_64 = vector.broadcast %broadcast_in_dim3A_60 : vector<256x1xi32> to vector<256x2048xi32>
    %eq3A_65 = arith.cmpi eq, %select_n3A_57, %eq3A_64 : vector<256x2048xi32>
    %jit3A_66 = arith.constant 2147483647 : i32
    %broadcast_in_dim3A_67 = vector.broadcast %jit3A_66 : i32 to vector<256x2048xi32>
    %select_n3A_68 = arith.select %eq3A_65, %broadcast_in_dim3A_67, %select_n3A_57 : vector<256x2048xi1>, vector<256x2048xi32>
    %reduce_min3A_69 = arith.constant dense<2147483647> : vector<256xi32>
    %reduce_min3A_70 = vector.multi_reduction <minsi>, %select_n3A_68, %reduce_min3A_69 [1] : vector<256x2048xi32> to vector<256xi32>
    %broadcast_in_dim3A_71 = vector.shape_cast %reduce_min3A_70 : vector<256xi32> to vector<256x1xi32>
    %and3A_72 = arith.constant 2047 : i32
    %and3A_73 = vector.broadcast %and3A_72 : i32 to vector<256x1xi32>
    %and3A_74 = arith.andi %broadcast_in_dim3A_71, %and3A_73 : vector<256x1xi32>
    %eq3A_75 = vector.broadcast %broadcast_in_dim3A_71 : vector<256x1xi32> to vector<256x2048xi32>
    %eq3A_76 = arith.cmpi eq, %select_n3A_68, %eq3A_75 : vector<256x2048xi32>
    %jit3A_77 = arith.constant 2147483647 : i32
    %broadcast_in_dim3A_78 = vector.broadcast %jit3A_77 : i32 to vector<256x2048xi32>
    %select_n3A_79 = arith.select %eq3A_76, %broadcast_in_dim3A_78, %select_n3A_68 : vector<256x2048xi1>, vector<256x2048xi32>
    %reduce_min3A_80 = arith.constant dense<2147483647> : vector<256xi32>
    %reduce_min3A_81 = vector.multi_reduction <minsi>, %select_n3A_79, %reduce_min3A_80 [1] : vector<256x2048xi32> to vector<256xi32>
    %broadcast_in_dim3A_82 = vector.shape_cast %reduce_min3A_81 : vector<256xi32> to vector<256x1xi32>
    %and3A_83 = arith.constant 2047 : i32
    %and3A_84 = vector.broadcast %and3A_83 : i32 to vector<256x1xi32>
    %and3A_85 = arith.andi %broadcast_in_dim3A_82, %and3A_84 : vector<256x1xi32>
    %eq3A_86 = vector.broadcast %broadcast_in_dim3A_82 : vector<256x1xi32> to vector<256x2048xi32>
    %eq3A_87 = arith.cmpi eq, %select_n3A_79, %eq3A_86 : vector<256x2048xi32>
    %jit3A_88 = arith.constant 2147483647 : i32
    %broadcast_in_dim3A_89 = vector.broadcast %jit3A_88 : i32 to vector<256x2048xi32>
    %select_n3A_90 = arith.select %eq3A_87, %broadcast_in_dim3A_89, %select_n3A_79 : vector<256x2048xi1>, vector<256x2048xi32>
    %reduce_min3A_91 = arith.constant dense<2147483647> : vector<256xi32>
    %reduce_min3A_92 = vector.multi_reduction <minsi>, %select_n3A_90, %reduce_min3A_91 [1] : vector<256x2048xi32> to vector<256xi32>
    %broadcast_in_dim3A_93 = vector.shape_cast %reduce_min3A_92 : vector<256xi32> to vector<256x1xi32>
    %and3A_94 = arith.constant 2047 : i32
    %and3A_95 = vector.broadcast %and3A_94 : i32 to vector<256x1xi32>
    %and3A_96 = arith.andi %broadcast_in_dim3A_93, %and3A_95 : vector<256x1xi32>
    %eq3A_97 = vector.broadcast %broadcast_in_dim3A_93 : vector<256x1xi32> to vector<256x2048xi32>
    %eq3A_98 = arith.cmpi eq, %select_n3A_90, %eq3A_97 : vector<256x2048xi32>
    %jit3A_99 = arith.constant 2147483647 : i32
    %broadcast_in_dim3A_100 = vector.broadcast %jit3A_99 : i32 to vector<256x2048xi32>
    %select_n3A_101 = arith.select %eq3A_98, %broadcast_in_dim3A_100, %select_n3A_90 : vector<256x2048xi1>, vector<256x2048xi32>
    %reduce_min3A_102 = arith.constant dense<2147483647> : vector<256xi32>
    %reduce_min3A_103 = vector.multi_reduction <minsi>, %select_n3A_101, %reduce_min3A_102 [1] : vector<256x2048xi32> to vector<256xi32>
    %broadcast_in_dim3A_104 = vector.shape_cast %reduce_min3A_103 : vector<256xi32> to vector<256x1xi32>
    %and3A_105 = arith.constant 2047 : i32
    %and3A_106 = vector.broadcast %and3A_105 : i32 to vector<256x1xi32>
    %and3A_107 = arith.andi %broadcast_in_dim3A_104, %and3A_106 : vector<256x1xi32>
    %eq3A_108 = vector.broadcast %broadcast_in_dim3A_104 : vector<256x1xi32> to vector<256x2048xi32>
    %eq3A_109 = arith.cmpi eq, %select_n3A_101, %eq3A_108 : vector<256x2048xi32>
    %jit3A_110 = arith.constant 2147483647 : i32
    %broadcast_in_dim3A_111 = vector.broadcast %jit3A_110 : i32 to vector<256x2048xi32>
    %select_n3A_112 = arith.select %eq3A_109, %broadcast_in_dim3A_111, %select_n3A_101 : vector<256x2048xi1>, vector<256x2048xi32>
    %reduce_min3A_113 = arith.constant dense<2147483647> : vector<256xi32>
    %reduce_min3A_114 = vector.multi_reduction <minsi>, %select_n3A_112, %reduce_min3A_113 [1] : vector<256x2048xi32> to vector<256xi32>
    %broadcast_in_dim3A_115 = vector.shape_cast %reduce_min3A_114 : vector<256xi32> to vector<256x1xi32>
    %and3A_116 = arith.constant 2047 : i32
    %and3A_117 = vector.broadcast %and3A_116 : i32 to vector<256x1xi32>
    %and3A_118 = arith.andi %broadcast_in_dim3A_115, %and3A_117 : vector<256x1xi32>
    %eq3A_119 = vector.broadcast %broadcast_in_dim3A_115 : vector<256x1xi32> to vector<256x2048xi32>
    %eq3A_120 = arith.cmpi eq, %select_n3A_112, %eq3A_119 : vector<256x2048xi32>
    %jit3A_121 = arith.constant 2147483647 : i32
    %broadcast_in_dim3A_122 = vector.broadcast %jit3A_121 : i32 to vector<256x2048xi32>
    %select_n3A_123 = arith.select %eq3A_120, %broadcast_in_dim3A_122, %select_n3A_112 : vector<256x2048xi1>, vector<256x2048xi32>
    %reduce_min3A_124 = arith.constant dense<2147483647> : vector<256xi32>
    %reduce_min3A_125 = vector.multi_reduction <minsi>, %select_n3A_123, %reduce_min3A_124 [1] : vector<256x2048xi32> to vector<256xi32>
    %broadcast_in_dim3A_126 = vector.shape_cast %reduce_min3A_125 : vector<256xi32> to vector<256x1xi32>
    %and3A_127 = arith.constant 2047 : i32
    %and3A_128 = vector.broadcast %and3A_127 : i32 to vector<256x1xi32>
    %and3A_129 = arith.andi %broadcast_in_dim3A_126, %and3A_128 : vector<256x1xi32>
    %eq3A_130 = vector.broadcast %broadcast_in_dim3A_126 : vector<256x1xi32> to vector<256x2048xi32>
    %eq3A_131 = arith.cmpi eq, %select_n3A_123, %eq3A_130 : vector<256x2048xi32>
    %jit3A_132 = arith.constant 2147483647 : i32
    %broadcast_in_dim3A_133 = vector.broadcast %jit3A_132 : i32 to vector<256x2048xi32>
    %select_n3A_134 = arith.select %eq3A_131, %broadcast_in_dim3A_133, %select_n3A_123 : vector<256x2048xi1>, vector<256x2048xi32>
    %reduce_min3A_135 = arith.constant dense<2147483647> : vector<256xi32>
    %reduce_min3A_136 = vector.multi_reduction <minsi>, %select_n3A_134, %reduce_min3A_135 [1] : vector<256x2048xi32> to vector<256xi32>
    %broadcast_in_dim3A_137 = vector.shape_cast %reduce_min3A_136 : vector<256xi32> to vector<256x1xi32>
    %and3A_138 = arith.constant 2047 : i32
    %and3A_139 = vector.broadcast %and3A_138 : i32 to vector<256x1xi32>
    %and3A_140 = arith.andi %broadcast_in_dim3A_137, %and3A_139 : vector<256x1xi32>
    %eq3A_141 = vector.broadcast %broadcast_in_dim3A_137 : vector<256x1xi32> to vector<256x2048xi32>
    %eq3A_142 = arith.cmpi eq, %select_n3A_134, %eq3A_141 : vector<256x2048xi32>
    %jit3A_143 = arith.constant 2147483647 : i32
    %broadcast_in_dim3A_144 = vector.broadcast %jit3A_143 : i32 to vector<256x2048xi32>
    %select_n3A_145 = arith.select %eq3A_142, %broadcast_in_dim3A_144, %select_n3A_134 : vector<256x2048xi1>, vector<256x2048xi32>
    %reduce_min3A_146 = arith.constant dense<2147483647> : vector<256xi32>
    %reduce_min3A_147 = vector.multi_reduction <minsi>, %select_n3A_145, %reduce_min3A_146 [1] : vector<256x2048xi32> to vector<256xi32>
    %broadcast_in_dim3A_148 = vector.shape_cast %reduce_min3A_147 : vector<256xi32> to vector<256x1xi32>
    %and3A_149 = arith.constant 2047 : i32
    %and3A_150 = vector.broadcast %and3A_149 : i32 to vector<256x1xi32>
    %and3A_151 = arith.andi %broadcast_in_dim3A_148, %and3A_150 : vector<256x1xi32>
    %eq3A_152 = vector.broadcast %broadcast_in_dim3A_148 : vector<256x1xi32> to vector<256x2048xi32>
    %eq3A_153 = arith.cmpi eq, %select_n3A_145, %eq3A_152 : vector<256x2048xi32>
    %jit3A_154 = arith.constant 2147483647 : i32
    %broadcast_in_dim3A_155 = vector.broadcast %jit3A_154 : i32 to vector<256x2048xi32>
    %select_n3A_156 = arith.select %eq3A_153, %broadcast_in_dim3A_155, %select_n3A_145 : vector<256x2048xi1>, vector<256x2048xi32>
    %reduce_min3A_157 = arith.constant dense<2147483647> : vector<256xi32>
    %reduce_min3A_158 = vector.multi_reduction <minsi>, %select_n3A_156, %reduce_min3A_157 [1] : vector<256x2048xi32> to vector<256xi32>
    %broadcast_in_dim3A_159 = vector.shape_cast %reduce_min3A_158 : vector<256xi32> to vector<256x1xi32>
    %and3A_160 = arith.constant 2047 : i32
    %and3A_161 = vector.broadcast %and3A_160 : i32 to vector<256x1xi32>
    %and3A_162 = arith.andi %broadcast_in_dim3A_159, %and3A_161 : vector<256x1xi32>
    %eq3A_163 = vector.broadcast %broadcast_in_dim3A_159 : vector<256x1xi32> to vector<256x2048xi32>
    %eq3A_164 = arith.cmpi eq, %select_n3A_156, %eq3A_163 : vector<256x2048xi32>
    %jit3A_165 = arith.constant 2147483647 : i32
    %broadcast_in_dim3A_166 = vector.broadcast %jit3A_165 : i32 to vector<256x2048xi32>
    %select_n3A_167 = arith.select %eq3A_164, %broadcast_in_dim3A_166, %select_n3A_156 : vector<256x2048xi1>, vector<256x2048xi32>
    %reduce_min3A_168 = arith.constant dense<2147483647> : vector<256xi32>
    %reduce_min3A_169 = vector.multi_reduction <minsi>, %select_n3A_167, %reduce_min3A_168 [1] : vector<256x2048xi32> to vector<256xi32>
    %broadcast_in_dim3A_170 = vector.shape_cast %reduce_min3A_169 : vector<256xi32> to vector<256x1xi32>
    %and3A_171 = arith.constant 2047 : i32
    %and3A_172 = vector.broadcast %and3A_171 : i32 to vector<256x1xi32>
    %and3A_173 = arith.andi %broadcast_in_dim3A_170, %and3A_172 : vector<256x1xi32>
    %eq3A_174 = vector.broadcast %broadcast_in_dim3A_170 : vector<256x1xi32> to vector<256x2048xi32>
    %eq3A_175 = arith.cmpi eq, %select_n3A_167, %eq3A_174 : vector<256x2048xi32>
    %jit3A_176 = arith.constant 2147483647 : i32
    %broadcast_in_dim3A_177 = vector.broadcast %jit3A_176 : i32 to vector<256x2048xi32>
    %select_n3A_178 = arith.select %eq3A_175, %broadcast_in_dim3A_177, %select_n3A_167 : vector<256x2048xi1>, vector<256x2048xi32>
    %reduce_min3A_179 = arith.constant dense<2147483647> : vector<256xi32>
    %reduce_min3A_180 = vector.multi_reduction <minsi>, %select_n3A_178, %reduce_min3A_179 [1] : vector<256x2048xi32> to vector<256xi32>
    %broadcast_in_dim3A_181 = vector.shape_cast %reduce_min3A_180 : vector<256xi32> to vector<256x1xi32>
    %and3A_182 = arith.constant 2047 : i32
    %and3A_183 = vector.broadcast %and3A_182 : i32 to vector<256x1xi32>
    %and3A_184 = arith.andi %broadcast_in_dim3A_181, %and3A_183 : vector<256x1xi32>
    %eq3A_185 = vector.broadcast %broadcast_in_dim3A_181 : vector<256x1xi32> to vector<256x2048xi32>
    %eq3A_186 = arith.cmpi eq, %select_n3A_178, %eq3A_185 : vector<256x2048xi32>
    %jit3A_187 = arith.constant 2147483647 : i32
    %broadcast_in_dim3A_188 = vector.broadcast %jit3A_187 : i32 to vector<256x2048xi32>
    %select_n3A_189 = arith.select %eq3A_186, %broadcast_in_dim3A_188, %select_n3A_178 : vector<256x2048xi1>, vector<256x2048xi32>
    %reduce_min3A_190 = arith.constant dense<2147483647> : vector<256xi32>
    %reduce_min3A_191 = vector.multi_reduction <minsi>, %select_n3A_189, %reduce_min3A_190 [1] : vector<256x2048xi32> to vector<256xi32>
    %broadcast_in_dim3A_192 = vector.shape_cast %reduce_min3A_191 : vector<256xi32> to vector<256x1xi32>
    %and3A_193 = arith.constant 2047 : i32
    %and3A_194 = vector.broadcast %and3A_193 : i32 to vector<256x1xi32>
    %and3A_195 = arith.andi %broadcast_in_dim3A_192, %and3A_194 : vector<256x1xi32>
    %concatenate3A = tpu.concatenate %and3A_33, %and3A_41, %and3A_52, %and3A_63, %and3A_74, %and3A_85, %and3A_96, %and3A_107, %and3A_118, %and3A_129, %and3A_140, %and3A_151, %and3A_162, %and3A_173, %and3A_184, %and3A_195 in 1 : vector<256x1xi32>, vector<256x1xi32>, vector<256x1xi32>, vector<256x1xi32>, vector<256x1xi32>, vector<256x1xi32>, vector<256x1xi32>, vector<256x1xi32>, vector<256x1xi32>, vector<256x1xi32>, vector<256x1xi32>, vector<256x1xi32>, vector<256x1xi32>, vector<256x1xi32>, vector<256x1xi32>, vector<256x1xi32> -> vector<256x16xi32>
    %mul3A_196 = arith.constant 2048 : i32
    %mul3A_197 = arith.muli %arg0, %mul3A_196 : i32
    %add3A_198 = vector.broadcast %mul3A_197 : i32 to vector<256x16xi32>
    %add3A_199 = arith.addi %concatenate3A, %add3A_198 : vector<256x16xi32>
    %swap3A = arith.constant 0 : index
    %swap3A_200 = arith.constant 0 : index
    %swap3A_201 = arith.constant 0 : index
    %swap3A_202 = vector.load %arg4[%swap3A, %swap3A_200, %swap3A_201] : memref<1x256x16xi32, #tpu.memory_space<vmem>>, vector<1x256x16xi32>
    %swap3A_203 = vector.shape_cast %swap3A_202 : vector<1x256x16xi32> to vector<256x16xi32>
    %swap3A_204 = vector.shape_cast %add3A_199 : vector<256x16xi32> to vector<1x256x16xi32>
    tpu.vector_store %arg4[%swap3A, %swap3A_200, %swap3A_201], %swap3A_204 {strides = array<i32>} : memref<1x256x16xi32, #tpu.memory_space<vmem>>, vector<1x256x16xi32>,
    return
  }
  func.func @transform_0(%arg0: i32, %arg1: i32) -> (i32, i32, i32) {
    %c0_i32 = arith.constant 0 : i32
    %c0_i32_0 = arith.constant 0 : i32
    return %arg0, %arg1, %c0_i32 : i32, i32, i32
  }
  func.func @transform_1(%arg0: i32, %arg1: i32) -> (i32, i32, i32) {
    %c0_i32 = arith.constant 0 : i32
    %c0_i32_0 = arith.constant 0 : i32
    %c0_i32_1 = arith.constant 0 : i32
    return %arg0, %c0_i32, %c0_i32_0 : i32, i32, i32
  }
  func.func @transform_2(%arg0: i32, %arg1: i32) -> (i32, i32, i32) {
    %c0_i32 = arith.constant 0 : i32
    %c0_i32_0 = arith.constant 0 : i32
    return %arg0, %arg1, %c0_i32 : i32, i32, i32
  }
}

module attributes {stable_mosaic.version = 14 : i64} {
  func.func @_pre_body(%arg0: i32, %arg1: memref<512x256xf32, #tpu.memory_space<vmem>>, %arg2: memref<256x512xf32, #tpu.memory_space<vmem>>, %arg3: memref<1x512xf32, #tpu.memory_space<vmem>>, %arg4: memref<256x128xf32, #tpu.memory_space<vmem>>, %arg5: memref<1x128xf32, #tpu.memory_space<vmem>>, %arg6: memref<512x512xf32, #tpu.memory_space<vmem>>, %arg7: memref<512x128xf32, #tpu.memory_space<vmem>>) attributes {dimension_semantics = [#tpu.dimension_semantics<arbitrary>], iteration_bounds = array<i64: 16>, scalar_prefetch = 0 : i64, scratch_operands = 0 : i64, tpu.core_type = #tpu.core_type<tc>, window_params = [{transform_indices = @transform_0, window_bounds = array<i64: 512, 256>}, {pipeline_mode = #tpu.pipeline_mode<synchronous>, transform_indices = @transform_1, window_bounds = array<i64: 256, 512>}, {pipeline_mode = #tpu.pipeline_mode<synchronous>, transform_indices = @transform_2, window_bounds = array<i64: 1, 512>}, {pipeline_mode = #tpu.pipeline_mode<synchronous>, transform_indices = @transform_3, window_bounds = array<i64: 256, 128>}, {pipeline_mode = #tpu.pipeline_mode<synchronous>, transform_indices = @transform_4, window_bounds = array<i64: 1, 128>}, {transform_indices = @transform_5, window_bounds = array<i64: 512, 512>}, {transform_indices = @transform_6, window_bounds = array<i64: 512, 128>}]} {
    %get3A = arith.constant 0 : index
    %get3A_0 = arith.constant 0 : index
    %get3A_1 = vector.load %arg1[%get3A, %get3A_0] : memref<512x256xf32, #tpu.memory_space<vmem>>, vector<512x256xf32>
    %get3A_2 = arith.constant 0 : index
    %get3A_3 = arith.constant 0 : index
    %get3A_4 = vector.load %arg2[%get3A_2, %get3A_3] : memref<256x512xf32, #tpu.memory_space<vmem>>, vector<256x512xf32>
    %dot_general3A = arith.constant dense<0.000000e+00> : vector<512x512xf32>
    %dot_general3A_5 = tpu.matmul %get3A_1, %get3A_4, %dot_general3A {dimension_numbers = #tpu.dot_dimension_numbers<[1], [0], [0], [1], [0, 0, 1, 1], [], []>, transpose_lhs_hint = false} : vector<512x256xf32>, vector<256x512xf32>, vector<512x512xf32> -> vector<512x512xf32>
    %get3A_6 = arith.constant 0 : index
    %get3A_7 = arith.constant 0 : index
    %get3A_8 = vector.load %arg3[%get3A_6, %get3A_7] : memref<1x512xf32, #tpu.memory_space<vmem>>, vector<1x512xf32>
    %add3A = vector.broadcast %get3A_8 : vector<1x512xf32> to vector<512x512xf32>
    %add3A_9 = arith.addf %dot_general3A_5, %add3A : vector<512x512xf32>
    %max3A = arith.constant 0.000000e+00 : f32
    %max3A_10 = vector.broadcast %max3A : f32 to vector<512x512xf32>
    %max3A_11 = arith.maximumf %add3A_9, %max3A_10 : vector<512x512xf32>
    %swap3A = arith.constant 0 : index
    %swap3A_12 = arith.constant 0 : index
    %swap3A_13 = vector.load %arg6[%swap3A, %swap3A_12] : memref<512x512xf32, #tpu.memory_space<vmem>>, vector<512x512xf32>
    tpu.vector_store %arg6[%swap3A, %swap3A_12], %max3A_11 {strides = array<i32>} : memref<512x512xf32, #tpu.memory_space<vmem>>, vector<512x512xf32>,
    %get3A_14 = arith.constant 0 : index
    %get3A_15 = arith.constant 0 : index
    %get3A_16 = vector.load %arg4[%get3A_14, %get3A_15] : memref<256x128xf32, #tpu.memory_space<vmem>>, vector<256x128xf32>
    %dot_general3A_17 = arith.constant dense<0.000000e+00> : vector<512x128xf32>
    %dot_general3A_18 = tpu.matmul %get3A_1, %get3A_16, %dot_general3A_17 {dimension_numbers = #tpu.dot_dimension_numbers<[1], [0], [0], [1], [0, 0, 1, 1], [], []>, transpose_lhs_hint = false} : vector<512x256xf32>, vector<256x128xf32>, vector<512x128xf32> -> vector<512x128xf32>
    %get3A_19 = arith.constant 0 : index
    %get3A_20 = arith.constant 0 : index
    %get3A_21 = vector.load %arg5[%get3A_19, %get3A_20] : memref<1x128xf32, #tpu.memory_space<vmem>>, vector<1x128xf32>
    %add3A_22 = vector.broadcast %get3A_21 : vector<1x128xf32> to vector<512x128xf32>
    %add3A_23 = arith.addf %dot_general3A_18, %add3A_22 : vector<512x128xf32>
    %max3A_24 = arith.constant 0.000000e+00 : f32
    %max3A_25 = vector.broadcast %max3A_24 : f32 to vector<512x128xf32>
    %max3A_26 = arith.maximumf %add3A_23, %max3A_25 : vector<512x128xf32>
    %swap3A_27 = arith.constant 0 : index
    %swap3A_28 = arith.constant 0 : index
    %swap3A_29 = vector.load %arg7[%swap3A_27, %swap3A_28] : memref<512x128xf32, #tpu.memory_space<vmem>>, vector<512x128xf32>
    tpu.vector_store %arg7[%swap3A_27, %swap3A_28], %max3A_26 {strides = array<i32>} : memref<512x128xf32, #tpu.memory_space<vmem>>, vector<512x128xf32>,
    return
  }
  func.func @transform_0(%arg0: i32) -> (i32, i32) {
    %c0_i32 = arith.constant 0 : i32
    %c0_i32_0 = arith.constant 0 : i32
    return %arg0, %c0_i32 : i32, i32
  }
  func.func @transform_1(%arg0: i32) -> (i32, i32) {
    %c0_i32 = arith.constant 0 : i32
    %c0_i32_0 = arith.constant 0 : i32
    %c0_i32_1 = arith.constant 0 : i32
    return %c0_i32, %c0_i32_0 : i32, i32
  }
  func.func @transform_2(%arg0: i32) -> (i32, i32) {
    %c0_i32 = arith.constant 0 : i32
    %c0_i32_0 = arith.constant 0 : i32
    %c0_i32_1 = arith.constant 0 : i32
    return %c0_i32, %c0_i32_0 : i32, i32
  }
  func.func @transform_3(%arg0: i32) -> (i32, i32) {
    %c0_i32 = arith.constant 0 : i32
    %c0_i32_0 = arith.constant 0 : i32
    %c0_i32_1 = arith.constant 0 : i32
    return %c0_i32, %c0_i32_0 : i32, i32
  }
  func.func @transform_4(%arg0: i32) -> (i32, i32) {
    %c0_i32 = arith.constant 0 : i32
    %c0_i32_0 = arith.constant 0 : i32
    %c0_i32_1 = arith.constant 0 : i32
    return %c0_i32, %c0_i32_0 : i32, i32
  }
  func.func @transform_5(%arg0: i32) -> (i32, i32) {
    %c0_i32 = arith.constant 0 : i32
    %c0_i32_0 = arith.constant 0 : i32
    return %arg0, %c0_i32 : i32, i32
  }
  func.func @transform_6(%arg0: i32) -> (i32, i32) {
    %c0_i32 = arith.constant 0 : i32
    %c0_i32_0 = arith.constant 0 : i32
    return %arg0, %c0_i32 : i32, i32
  }
}

module attributes {stable_mosaic.version = 14 : i64} {
  func.func @_layer0_body(%arg0: i32, %arg1: memref<1024x128xf32, #tpu.memory_space<vmem>>, %arg2: memref<1024x128xf32, #tpu.memory_space<vmem>>, %arg3: memref<1024x16xf32, #tpu.memory_space<vmem>>, %arg4: memref<16x128xf32, #tpu.memory_space<vmem>>, %arg5: memref<16x128xf32, #tpu.memory_space<vmem>>, %arg6: memref<1x128xf32, #tpu.memory_space<vmem>>, %arg7: memref<1x128xf32, #tpu.memory_space<vmem>>, %arg8: memref<256x256xf32, #tpu.memory_space<vmem>>, %arg9: memref<1x256xf32, #tpu.memory_space<vmem>>, %arg10: memref<256x128xf32, #tpu.memory_space<vmem>>, %arg11: memref<1x128xf32, #tpu.memory_space<vmem>>, %arg12: memref<64x128xf32, #tpu.memory_space<vmem>>) attributes {dimension_semantics = [#tpu.dimension_semantics<arbitrary>], iteration_bounds = array<i64: 128>, scalar_prefetch = 0 : i64, scratch_operands = 0 : i64, tpu.core_type = #tpu.core_type<tc>, window_params = [{transform_indices = @transform_0, window_bounds = array<i64: 1024, 128>}, {transform_indices = @transform_1, window_bounds = array<i64: 1024, 128>}, {transform_indices = @transform_2, window_bounds = array<i64: 1024, 16>}, {pipeline_mode = #tpu.pipeline_mode<synchronous>, transform_indices = @transform_3, window_bounds = array<i64: 16, 128>}, {pipeline_mode = #tpu.pipeline_mode<synchronous>, transform_indices = @transform_4, window_bounds = array<i64: 16, 128>}, {pipeline_mode = #tpu.pipeline_mode<synchronous>, transform_indices = @transform_5, window_bounds = array<i64: 1, 128>}, {pipeline_mode = #tpu.pipeline_mode<synchronous>, transform_indices = @transform_6, window_bounds = array<i64: 1, 128>}, {pipeline_mode = #tpu.pipeline_mode<synchronous>, transform_indices = @transform_7, window_bounds = array<i64: 256, 256>}, {pipeline_mode = #tpu.pipeline_mode<synchronous>, transform_indices = @transform_8, window_bounds = array<i64: 1, 256>}, {pipeline_mode = #tpu.pipeline_mode<synchronous>, transform_indices = @transform_9, window_bounds = array<i64: 256, 128>}, {pipeline_mode = #tpu.pipeline_mode<synchronous>, transform_indices = @transform_10, window_bounds = array<i64: 1, 128>}, {transform_indices = @transform_11, window_bounds = array<i64: 64, 128>}]} {
    %get3A = arith.constant 0 : index
    %get3A_0 = arith.constant 0 : index
    %get3A_1 = vector.load %arg1[%get3A, %get3A_0] : memref<1024x128xf32, #tpu.memory_space<vmem>>, vector<1024x128xf32>
    %get3A_2 = arith.constant 0 : index
    %get3A_3 = arith.constant 0 : index
    %get3A_4 = vector.load %arg2[%get3A_2, %get3A_3] : memref<1024x128xf32, #tpu.memory_space<vmem>>, vector<1024x128xf32>
    %get3A_5 = arith.constant 0 : index
    %get3A_6 = arith.constant 0 : index
    %get3A_7 = vector.load %arg3[%get3A_5, %get3A_6] : memref<1024x16xf32, #tpu.memory_space<vmem>>, vector<1024x16xf32>
    %get3A_8 = arith.constant 0 : index
    %get3A_9 = arith.constant 0 : index
    %get3A_10 = vector.load %arg4[%get3A_8, %get3A_9] : memref<16x128xf32, #tpu.memory_space<vmem>>, vector<16x128xf32>
    %get3A_11 = arith.constant 0 : index
    %get3A_12 = arith.constant 0 : index
    %get3A_13 = vector.load %arg5[%get3A_11, %get3A_12] : memref<16x128xf32, #tpu.memory_space<vmem>>, vector<16x128xf32>
    %get3A_14 = arith.constant 0 : index
    %get3A_15 = arith.constant 0 : index
    %get3A_16 = vector.load %arg6[%get3A_14, %get3A_15] : memref<1x128xf32, #tpu.memory_space<vmem>>, vector<1x128xf32>
    %get3A_17 = arith.constant 0 : index
    %get3A_18 = arith.constant 0 : index
    %get3A_19 = vector.load %arg7[%get3A_17, %get3A_18] : memref<1x128xf32, #tpu.memory_space<vmem>>, vector<1x128xf32>
    %get3A_20 = arith.constant 0 : index
    %get3A_21 = arith.constant 0 : index
    %get3A_22 = vector.load %arg8[%get3A_20, %get3A_21] : memref<256x256xf32, #tpu.memory_space<vmem>>, vector<256x256xf32>
    %get3A_23 = arith.constant 0 : index
    %get3A_24 = arith.constant 0 : index
    %get3A_25 = vector.load %arg9[%get3A_23, %get3A_24] : memref<1x256xf32, #tpu.memory_space<vmem>>, vector<1x256xf32>
    %slice3A = vector.extract_strided_slice %get3A_4 {offsets = [0, 0], sizes = [1024, 16], strides = [1, 1]} : vector<1024x128xf32> to vector<1024x16xf32>
    %sub3A = arith.subf %get3A_7, %slice3A : vector<1024x16xf32>
    %mul3A = arith.mulf %sub3A, %sub3A : vector<1024x16xf32>
    %reduce_sum3A = arith.constant dense<0.000000e+00> : vector<1024xf32>
    %reduce_sum3A_26 = vector.multi_reduction <add>, %mul3A, %reduce_sum3A [1] : vector<1024x16xf32> to vector<1024xf32>
    %broadcast_in_dim3A = vector.shape_cast %reduce_sum3A_26 : vector<1024xf32> to vector<1024x1xf32>
    %sqrt3A = math.sqrt %broadcast_in_dim3A : vector<1024x1xf32>
    %dot_general3A = arith.constant dense<0.000000e+00> : vector<1024x128xf32>
    %dot_general3A_27 = tpu.matmul %get3A_7, %get3A_10, %dot_general3A {dimension_numbers = #tpu.dot_dimension_numbers<[1], [0], [0], [1], [0, 0, 1, 1], [], []>, transpose_lhs_hint = false} : vector<1024x16xf32>, vector<16x128xf32>, vector<1024x128xf32> -> vector<1024x128xf32>
    %dot_general3A_28 = arith.constant dense<0.000000e+00> : vector<1024x128xf32>
    %dot_general3A_29 = tpu.matmul %slice3A, %get3A_13, %dot_general3A_28 {dimension_numbers = #tpu.dot_dimension_numbers<[1], [0], [0], [1], [0, 0, 1, 1], [], []>, transpose_lhs_hint = false} : vector<1024x16xf32>, vector<16x128xf32>, vector<1024x128xf32> -> vector<1024x128xf32>
    %add3A = arith.addf %dot_general3A_27, %dot_general3A_29 : vector<1024x128xf32>
    %mul3A_30 = vector.broadcast %sqrt3A : vector<1024x1xf32> to vector<1024x128xf32>
    %mul3A_31 = vector.broadcast %get3A_16 : vector<1x128xf32> to vector<1024x128xf32>
    %mul3A_32 = arith.mulf %mul3A_30, %mul3A_31 : vector<1024x128xf32>
    %add3A_33 = arith.addf %add3A, %mul3A_32 : vector<1024x128xf32>
    %add3A_34 = vector.broadcast %get3A_19 : vector<1x128xf32> to vector<1024x128xf32>
    %add3A_35 = arith.addf %add3A_33, %add3A_34 : vector<1024x128xf32>
    %max3A = arith.constant 0.000000e+00 : f32
    %max3A_36 = vector.broadcast %max3A : f32 to vector<1024x128xf32>
    %max3A_37 = arith.maximumf %add3A_35, %max3A_36 : vector<1024x128xf32>
    %concatenate3A = tpu.concatenate %get3A_1, %max3A_37 in 1 : vector<1024x128xf32>, vector<1024x128xf32> -> vector<1024x256xf32>
    %dot_general3A_38 = arith.constant dense<0.000000e+00> : vector<1024x256xf32>
    %dot_general3A_39 = tpu.matmul %concatenate3A, %get3A_22, %dot_general3A_38 {dimension_numbers = #tpu.dot_dimension_numbers<[1], [0], [0], [1], [0, 0, 1, 1], [], []>, transpose_lhs_hint = false} : vector<1024x256xf32>, vector<256x256xf32>, vector<1024x256xf32> -> vector<1024x256xf32>
    %add3A_40 = vector.broadcast %get3A_25 : vector<1x256xf32> to vector<1024x256xf32>
    %add3A_41 = arith.addf %dot_general3A_39, %add3A_40 : vector<1024x256xf32>
    %reduce_max3A = arith.constant dense<0xFF800000> : vector<1024xf32>
    %reduce_max3A_42 = vector.multi_reduction <maximumf>, %add3A_41, %reduce_max3A [1] : vector<1024x256xf32> to vector<1024xf32>
    %broadcast_in_dim3A_43 = vector.shape_cast %reduce_max3A_42 : vector<1024xf32> to vector<1024x1xf32>
    %sub3A_44 = vector.broadcast %broadcast_in_dim3A_43 : vector<1024x1xf32> to vector<1024x256xf32>
    %sub3A_45 = arith.subf %add3A_41, %sub3A_44 : vector<1024x256xf32>
    %exp3A = math.exp %sub3A_45 : vector<1024x256xf32>
    %reduce_sum3A_46 = arith.constant dense<0.000000e+00> : vector<1024xf32>
    %reduce_sum3A_47 = vector.multi_reduction <add>, %exp3A, %reduce_sum3A_46 [1] : vector<1024x256xf32> to vector<1024xf32>
    %broadcast_in_dim3A_48 = vector.shape_cast %reduce_sum3A_47 : vector<1024xf32> to vector<1024x1xf32>
    %div3A = vector.broadcast %broadcast_in_dim3A_48 : vector<1024x1xf32> to vector<1024x256xf32>
    %div3A_49 = arith.divf %exp3A, %div3A : vector<1024x256xf32>
    %mul3A_50 = arith.mulf %concatenate3A, %div3A_49 : vector<1024x256xf32>
    %reshape3A = vector.shape_cast %mul3A_50 : vector<1024x256xf32> to vector<64x16x256xf32>
    %reduce_sum3A_51 = arith.constant dense<0.000000e+00> : vector<64x256xf32>
    %reduce_sum3A_52 = vector.multi_reduction <add>, %reshape3A, %reduce_sum3A_51 [1] : vector<64x16x256xf32> to vector<64x256xf32>
    %get3A_53 = arith.constant 0 : index
    %get3A_54 = arith.constant 0 : index
    %get3A_55 = vector.load %arg10[%get3A_53, %get3A_54] : memref<256x128xf32, #tpu.memory_space<vmem>>, vector<256x128xf32>
    %dot_general3A_56 = arith.constant dense<0.000000e+00> : vector<64x128xf32>
    %dot_general3A_57 = tpu.matmul %reduce_sum3A_52, %get3A_55, %dot_general3A_56 {dimension_numbers = #tpu.dot_dimension_numbers<[1], [0], [0], [1], [0, 0, 1, 1], [], []>, transpose_lhs_hint = false} : vector<64x256xf32>, vector<256x128xf32>, vector<64x128xf32> -> vector<64x128xf32>
    %get3A_58 = arith.constant 0 : index
    %get3A_59 = arith.constant 0 : index
    %get3A_60 = vector.load %arg11[%get3A_58, %get3A_59] : memref<1x128xf32, #tpu.memory_space<vmem>>, vector<1x128xf32>
    %add3A_61 = vector.broadcast %get3A_60 : vector<1x128xf32> to vector<64x128xf32>
    %add3A_62 = arith.addf %dot_general3A_57, %add3A_61 : vector<64x128xf32>
    %max3A_63 = arith.constant 0.000000e+00 : f32
    %max3A_64 = vector.broadcast %max3A_63 : f32 to vector<64x128xf32>
    %max3A_65 = arith.maximumf %add3A_62, %max3A_64 : vector<64x128xf32>
    %swap3A = arith.constant 0 : index
    %swap3A_66 = arith.constant 0 : index
    %swap3A_67 = vector.load %arg12[%swap3A, %swap3A_66] : memref<64x128xf32, #tpu.memory_space<vmem>>, vector<64x128xf32>
    tpu.vector_store %arg12[%swap3A, %swap3A_66], %max3A_65 {strides = array<i32>} : memref<64x128xf32, #tpu.memory_space<vmem>>, vector<64x128xf32>,
    return
  }
  func.func @transform_0(%arg0: i32) -> (i32, i32) {
    %c0_i32 = arith.constant 0 : i32
    %c0_i32_0 = arith.constant 0 : i32
    return %arg0, %c0_i32 : i32, i32
  }
  func.func @transform_1(%arg0: i32) -> (i32, i32) {
    %c0_i32 = arith.constant 0 : i32
    %c0_i32_0 = arith.constant 0 : i32
    return %arg0, %c0_i32 : i32, i32
  }
  func.func @transform_2(%arg0: i32) -> (i32, i32) {
    %c0_i32 = arith.constant 0 : i32
    %c0_i32_0 = arith.constant 0 : i32
    return %arg0, %c0_i32 : i32, i32
  }
  func.func @transform_3(%arg0: i32) -> (i32, i32) {
    %c0_i32 = arith.constant 0 : i32
    %c0_i32_0 = arith.constant 0 : i32
    %c0_i32_1 = arith.constant 0 : i32
    return %c0_i32, %c0_i32_0 : i32, i32
  }
  func.func @transform_4(%arg0: i32) -> (i32, i32) {
    %c0_i32 = arith.constant 0 : i32
    %c0_i32_0 = arith.constant 0 : i32
    %c0_i32_1 = arith.constant 0 : i32
    return %c0_i32, %c0_i32_0 : i32, i32
  }
  func.func @transform_5(%arg0: i32) -> (i32, i32) {
    %c0_i32 = arith.constant 0 : i32
    %c0_i32_0 = arith.constant 0 : i32
    %c0_i32_1 = arith.constant 0 : i32
    return %c0_i32, %c0_i32_0 : i32, i32
  }
  func.func @transform_6(%arg0: i32) -> (i32, i32) {
    %c0_i32 = arith.constant 0 : i32
    %c0_i32_0 = arith.constant 0 : i32
    %c0_i32_1 = arith.constant 0 : i32
    return %c0_i32, %c0_i32_0 : i32, i32
  }
  func.func @transform_7(%arg0: i32) -> (i32, i32) {
    %c0_i32 = arith.constant 0 : i32
    %c0_i32_0 = arith.constant 0 : i32
    %c0_i32_1 = arith.constant 0 : i32
    return %c0_i32, %c0_i32_0 : i32, i32
  }
  func.func @transform_8(%arg0: i32) -> (i32, i32) {
    %c0_i32 = arith.constant 0 : i32
    %c0_i32_0 = arith.constant 0 : i32
    %c0_i32_1 = arith.constant 0 : i32
    return %c0_i32, %c0_i32_0 : i32, i32
  }
  func.func @transform_9(%arg0: i32) -> (i32, i32) {
    %c0_i32 = arith.constant 0 : i32
    %c0_i32_0 = arith.constant 0 : i32
    %c0_i32_1 = arith.constant 0 : i32
    return %c0_i32, %c0_i32_0 : i32, i32
  }
  func.func @transform_10(%arg0: i32) -> (i32, i32) {
    %c0_i32 = arith.constant 0 : i32
    %c0_i32_0 = arith.constant 0 : i32
    %c0_i32_1 = arith.constant 0 : i32
    return %c0_i32, %c0_i32_0 : i32, i32
  }
  func.func @transform_11(%arg0: i32) -> (i32, i32) {
    %c0_i32 = arith.constant 0 : i32
    %c0_i32_0 = arith.constant 0 : i32
    return %arg0, %c0_i32 : i32, i32
  }
}

module attributes {stable_mosaic.version = 14 : i64} {
  func.func @_layer1_body(%arg0: i32, %arg1: memref<1024x128xf32, #tpu.memory_space<vmem>>, %arg2: memref<1024x128xf32, #tpu.memory_space<vmem>>, %arg3: memref<1024x16xf32, #tpu.memory_space<vmem>>, %arg4: memref<16x128xf32, #tpu.memory_space<vmem>>, %arg5: memref<16x128xf32, #tpu.memory_space<vmem>>, %arg6: memref<1x128xf32, #tpu.memory_space<vmem>>, %arg7: memref<1x128xf32, #tpu.memory_space<vmem>>, %arg8: memref<256x256xf32, #tpu.memory_space<vmem>>, %arg9: memref<1x256xf32, #tpu.memory_space<vmem>>, %arg10: memref<256x256xf32, #tpu.memory_space<vmem>>, %arg11: memref<1x256xf32, #tpu.memory_space<vmem>>, %arg12: memref<256x512xf32, #tpu.memory_space<vmem>>, %arg13: memref<1x512xf32, #tpu.memory_space<vmem>>, %arg14: memref<64x512xf32, #tpu.memory_space<vmem>>, %arg15: memref<64x512xf32, #tpu.memory_space<vmem>>) attributes {dimension_semantics = [#tpu.dimension_semantics<arbitrary>], iteration_bounds = array<i64: 128>, scalar_prefetch = 0 : i64, scratch_operands = 0 : i64, tpu.core_type = #tpu.core_type<tc>, window_params = [{transform_indices = @transform_0, window_bounds = array<i64: 1024, 128>}, {transform_indices = @transform_1, window_bounds = array<i64: 1024, 128>}, {transform_indices = @transform_2, window_bounds = array<i64: 1024, 16>}, {pipeline_mode = #tpu.pipeline_mode<synchronous>, transform_indices = @transform_3, window_bounds = array<i64: 16, 128>}, {pipeline_mode = #tpu.pipeline_mode<synchronous>, transform_indices = @transform_4, window_bounds = array<i64: 16, 128>}, {pipeline_mode = #tpu.pipeline_mode<synchronous>, transform_indices = @transform_5, window_bounds = array<i64: 1, 128>}, {pipeline_mode = #tpu.pipeline_mode<synchronous>, transform_indices = @transform_6, window_bounds = array<i64: 1, 128>}, {pipeline_mode = #tpu.pipeline_mode<synchronous>, transform_indices = @transform_7, window_bounds = array<i64: 256, 256>}, {pipeline_mode = #tpu.pipeline_mode<synchronous>, transform_indices = @transform_8, window_bounds = array<i64: 1, 256>}, {pipeline_mode = #tpu.pipeline_mode<synchronous>, transform_indices = @transform_9, window_bounds = array<i64: 256, 256>}, {pipeline_mode = #tpu.pipeline_mode<synchronous>, transform_indices = @transform_10, window_bounds = array<i64: 1, 256>}, {pipeline_mode = #tpu.pipeline_mode<synchronous>, transform_indices = @transform_11, window_bounds = array<i64: 256, 512>}, {pipeline_mode = #tpu.pipeline_mode<synchronous>, transform_indices = @transform_12, window_bounds = array<i64: 1, 512>}, {transform_indices = @transform_13, window_bounds = array<i64: 64, 512>}, {transform_indices = @transform_14, window_bounds = array<i64: 64, 512>}]} {
    %get3A = arith.constant 0 : index
    %get3A_0 = arith.constant 0 : index
    %get3A_1 = vector.load %arg1[%get3A, %get3A_0] : memref<1024x128xf32, #tpu.memory_space<vmem>>, vector<1024x128xf32>
    %get3A_2 = arith.constant 0 : index
    %get3A_3 = arith.constant 0 : index
    %get3A_4 = vector.load %arg2[%get3A_2, %get3A_3] : memref<1024x128xf32, #tpu.memory_space<vmem>>, vector<1024x128xf32>
    %get3A_5 = arith.constant 0 : index
    %get3A_6 = arith.constant 0 : index
    %get3A_7 = vector.load %arg3[%get3A_5, %get3A_6] : memref<1024x16xf32, #tpu.memory_space<vmem>>, vector<1024x16xf32>
    %get3A_8 = arith.constant 0 : index
    %get3A_9 = arith.constant 0 : index
    %get3A_10 = vector.load %arg4[%get3A_8, %get3A_9] : memref<16x128xf32, #tpu.memory_space<vmem>>, vector<16x128xf32>
    %get3A_11 = arith.constant 0 : index
    %get3A_12 = arith.constant 0 : index
    %get3A_13 = vector.load %arg5[%get3A_11, %get3A_12] : memref<16x128xf32, #tpu.memory_space<vmem>>, vector<16x128xf32>
    %get3A_14 = arith.constant 0 : index
    %get3A_15 = arith.constant 0 : index
    %get3A_16 = vector.load %arg6[%get3A_14, %get3A_15] : memref<1x128xf32, #tpu.memory_space<vmem>>, vector<1x128xf32>
    %get3A_17 = arith.constant 0 : index
    %get3A_18 = arith.constant 0 : index
    %get3A_19 = vector.load %arg7[%get3A_17, %get3A_18] : memref<1x128xf32, #tpu.memory_space<vmem>>, vector<1x128xf32>
    %get3A_20 = arith.constant 0 : index
    %get3A_21 = arith.constant 0 : index
    %get3A_22 = vector.load %arg8[%get3A_20, %get3A_21] : memref<256x256xf32, #tpu.memory_space<vmem>>, vector<256x256xf32>
    %get3A_23 = arith.constant 0 : index
    %get3A_24 = arith.constant 0 : index
    %get3A_25 = vector.load %arg9[%get3A_23, %get3A_24] : memref<1x256xf32, #tpu.memory_space<vmem>>, vector<1x256xf32>
    %slice3A = vector.extract_strided_slice %get3A_4 {offsets = [0, 0], sizes = [1024, 16], strides = [1, 1]} : vector<1024x128xf32> to vector<1024x16xf32>
    %sub3A = arith.subf %get3A_7, %slice3A : vector<1024x16xf32>
    %mul3A = arith.mulf %sub3A, %sub3A : vector<1024x16xf32>
    %reduce_sum3A = arith.constant dense<0.000000e+00> : vector<1024xf32>
    %reduce_sum3A_26 = vector.multi_reduction <add>, %mul3A, %reduce_sum3A [1] : vector<1024x16xf32> to vector<1024xf32>
    %broadcast_in_dim3A = vector.shape_cast %reduce_sum3A_26 : vector<1024xf32> to vector<1024x1xf32>
    %sqrt3A = math.sqrt %broadcast_in_dim3A : vector<1024x1xf32>
    %dot_general3A = arith.constant dense<0.000000e+00> : vector<1024x128xf32>
    %dot_general3A_27 = tpu.matmul %get3A_7, %get3A_10, %dot_general3A {dimension_numbers = #tpu.dot_dimension_numbers<[1], [0], [0], [1], [0, 0, 1, 1], [], []>, transpose_lhs_hint = false} : vector<1024x16xf32>, vector<16x128xf32>, vector<1024x128xf32> -> vector<1024x128xf32>
    %dot_general3A_28 = arith.constant dense<0.000000e+00> : vector<1024x128xf32>
    %dot_general3A_29 = tpu.matmul %slice3A, %get3A_13, %dot_general3A_28 {dimension_numbers = #tpu.dot_dimension_numbers<[1], [0], [0], [1], [0, 0, 1, 1], [], []>, transpose_lhs_hint = false} : vector<1024x16xf32>, vector<16x128xf32>, vector<1024x128xf32> -> vector<1024x128xf32>
    %add3A = arith.addf %dot_general3A_27, %dot_general3A_29 : vector<1024x128xf32>
    %mul3A_30 = vector.broadcast %sqrt3A : vector<1024x1xf32> to vector<1024x128xf32>
    %mul3A_31 = vector.broadcast %get3A_16 : vector<1x128xf32> to vector<1024x128xf32>
    %mul3A_32 = arith.mulf %mul3A_30, %mul3A_31 : vector<1024x128xf32>
    %add3A_33 = arith.addf %add3A, %mul3A_32 : vector<1024x128xf32>
    %add3A_34 = vector.broadcast %get3A_19 : vector<1x128xf32> to vector<1024x128xf32>
    %add3A_35 = arith.addf %add3A_33, %add3A_34 : vector<1024x128xf32>
    %max3A = arith.constant 0.000000e+00 : f32
    %max3A_36 = vector.broadcast %max3A : f32 to vector<1024x128xf32>
    %max3A_37 = arith.maximumf %add3A_35, %max3A_36 : vector<1024x128xf32>
    %concatenate3A = tpu.concatenate %get3A_1, %max3A_37 in 1 : vector<1024x128xf32>, vector<1024x128xf32> -> vector<1024x256xf32>
    %dot_general3A_38 = arith.constant dense<0.000000e+00> : vector<1024x256xf32>
    %dot_general3A_39 = tpu.matmul %concatenate3A, %get3A_22, %dot_general3A_38 {dimension_numbers = #tpu.dot_dimension_numbers<[1], [0], [0], [1], [0, 0, 1, 1], [], []>, transpose_lhs_hint = false} : vector<1024x256xf32>, vector<256x256xf32>, vector<1024x256xf32> -> vector<1024x256xf32>
    %add3A_40 = vector.broadcast %get3A_25 : vector<1x256xf32> to vector<1024x256xf32>
    %add3A_41 = arith.addf %dot_general3A_39, %add3A_40 : vector<1024x256xf32>
    %reduce_max3A = arith.constant dense<0xFF800000> : vector<1024xf32>
    %reduce_max3A_42 = vector.multi_reduction <maximumf>, %add3A_41, %reduce_max3A [1] : vector<1024x256xf32> to vector<1024xf32>
    %broadcast_in_dim3A_43 = vector.shape_cast %reduce_max3A_42 : vector<1024xf32> to vector<1024x1xf32>
    %sub3A_44 = vector.broadcast %broadcast_in_dim3A_43 : vector<1024x1xf32> to vector<1024x256xf32>
    %sub3A_45 = arith.subf %add3A_41, %sub3A_44 : vector<1024x256xf32>
    %exp3A = math.exp %sub3A_45 : vector<1024x256xf32>
    %reduce_sum3A_46 = arith.constant dense<0.000000e+00> : vector<1024xf32>
    %reduce_sum3A_47 = vector.multi_reduction <add>, %exp3A, %reduce_sum3A_46 [1] : vector<1024x256xf32> to vector<1024xf32>
    %broadcast_in_dim3A_48 = vector.shape_cast %reduce_sum3A_47 : vector<1024xf32> to vector<1024x1xf32>
    %div3A = vector.broadcast %broadcast_in_dim3A_48 : vector<1024x1xf32> to vector<1024x256xf32>
    %div3A_49 = arith.divf %exp3A, %div3A : vector<1024x256xf32>
    %mul3A_50 = arith.mulf %concatenate3A, %div3A_49 : vector<1024x256xf32>
    %reshape3A = vector.shape_cast %mul3A_50 : vector<1024x256xf32> to vector<64x16x256xf32>
    %reduce_sum3A_51 = arith.constant dense<0.000000e+00> : vector<64x256xf32>
    %reduce_sum3A_52 = vector.multi_reduction <add>, %reshape3A, %reduce_sum3A_51 [1] : vector<64x16x256xf32> to vector<64x256xf32>
    %get3A_53 = arith.constant 0 : index
    %get3A_54 = arith.constant 0 : index
    %get3A_55 = vector.load %arg10[%get3A_53, %get3A_54] : memref<256x256xf32, #tpu.memory_space<vmem>>, vector<256x256xf32>
    %dot_general3A_56 = arith.constant dense<0.000000e+00> : vector<64x256xf32>
    %dot_general3A_57 = tpu.matmul %reduce_sum3A_52, %get3A_55, %dot_general3A_56 {dimension_numbers = #tpu.dot_dimension_numbers<[1], [0], [0], [1], [0, 0, 1, 1], [], []>, transpose_lhs_hint = false} : vector<64x256xf32>, vector<256x256xf32>, vector<64x256xf32> -> vector<64x256xf32>
    %get3A_58 = arith.constant 0 : index
    %get3A_59 = arith.constant 0 : index
    %get3A_60 = vector.load %arg11[%get3A_58, %get3A_59] : memref<1x256xf32, #tpu.memory_space<vmem>>, vector<1x256xf32>
    %add3A_61 = vector.broadcast %get3A_60 : vector<1x256xf32> to vector<64x256xf32>
    %add3A_62 = arith.addf %dot_general3A_57, %add3A_61 : vector<64x256xf32>
    %max3A_63 = arith.constant 0.000000e+00 : f32
    %max3A_64 = vector.broadcast %max3A_63 : f32 to vector<64x256xf32>
    %max3A_65 = arith.maximumf %add3A_62, %max3A_64 : vector<64x256xf32>
    %get3A_66 = arith.constant 0 : index
    %get3A_67 = arith.constant 0 : index
    %get3A_68 = vector.load %arg12[%get3A_66, %get3A_67] : memref<256x512xf32, #tpu.memory_space<vmem>>, vector<256x512xf32>
    %dot_general3A_69 = arith.constant dense<0.000000e+00> : vector<64x512xf32>
    %dot_general3A_70 = tpu.matmul %max3A_65, %get3A_68, %dot_general3A_69 {dimension_numbers = #tpu.dot_dimension_numbers<[1], [0], [0], [1], [0, 0, 1, 1], [], []>, transpose_lhs_hint = false} : vector<64x256xf32>, vector<256x512xf32>, vector<64x512xf32> -> vector<64x512xf32>
    %get3A_71 = arith.constant 0 : index
    %get3A_72 = arith.constant 0 : index
    %get3A_73 = vector.load %arg13[%get3A_71, %get3A_72] : memref<1x512xf32, #tpu.memory_space<vmem>>, vector<1x512xf32>
    %add3A_74 = vector.broadcast %get3A_73 : vector<1x512xf32> to vector<64x512xf32>
    %add3A_75 = arith.addf %dot_general3A_70, %add3A_74 : vector<64x512xf32>
    %max3A_76 = arith.constant 0.000000e+00 : f32
    %max3A_77 = vector.broadcast %max3A_76 : f32 to vector<64x512xf32>
    %max3A_78 = arith.maximumf %add3A_75, %max3A_77 : vector<64x512xf32>
    %get3A_79 = arith.constant 0 : index
    %get3A_80 = arith.constant 0 : index
    %get3A_81 = vector.load %arg14[%get3A_79, %get3A_80] : memref<64x512xf32, #tpu.memory_space<vmem>>, vector<64x512xf32>
    %add3A_82 = arith.addf %max3A_78, %get3A_81 : vector<64x512xf32>
    %ge3A = arith.constant 0.000000e+00 : f32
    %ge3A_83 = vector.broadcast %ge3A : f32 to vector<64x512xf32>
    %ge3A_84 = arith.cmpf oge, %add3A_82, %ge3A_83 : vector<64x512xf32>
    %mul3A_85 = arith.constant 2.000000e-01 : f32
    %mul3A_86 = vector.broadcast %mul3A_85 : f32 to vector<64x512xf32>
    %mul3A_87 = arith.mulf %mul3A_86, %add3A_82 : vector<64x512xf32>
    %select_n3A = arith.select %ge3A_84, %add3A_82, %mul3A_87 : vector<64x512xi1>, vector<64x512xf32>
    %swap3A = arith.constant 0 : index
    %swap3A_88 = arith.constant 0 : index
    %swap3A_89 = vector.load %arg15[%swap3A, %swap3A_88] : memref<64x512xf32, #tpu.memory_space<vmem>>, vector<64x512xf32>
    tpu.vector_store %arg15[%swap3A, %swap3A_88], %select_n3A {strides = array<i32>} : memref<64x512xf32, #tpu.memory_space<vmem>>, vector<64x512xf32>,
    return
  }
  func.func @transform_0(%arg0: i32) -> (i32, i32) {
    %c0_i32 = arith.constant 0 : i32
    %c0_i32_0 = arith.constant 0 : i32
    return %arg0, %c0_i32 : i32, i32
  }
  func.func @transform_1(%arg0: i32) -> (i32, i32) {
    %c0_i32 = arith.constant 0 : i32
    %c0_i32_0 = arith.constant 0 : i32
    return %arg0, %c0_i32 : i32, i32
  }
  func.func @transform_2(%arg0: i32) -> (i32, i32) {
    %c0_i32 = arith.constant 0 : i32
    %c0_i32_0 = arith.constant 0 : i32
    return %arg0, %c0_i32 : i32, i32
  }
  func.func @transform_3(%arg0: i32) -> (i32, i32) {
    %c0_i32 = arith.constant 0 : i32
    %c0_i32_0 = arith.constant 0 : i32
    %c0_i32_1 = arith.constant 0 : i32
    return %c0_i32, %c0_i32_0 : i32, i32
  }
  func.func @transform_4(%arg0: i32) -> (i32, i32) {
    %c0_i32 = arith.constant 0 : i32
    %c0_i32_0 = arith.constant 0 : i32
    %c0_i32_1 = arith.constant 0 : i32
    return %c0_i32, %c0_i32_0 : i32, i32
  }
  func.func @transform_5(%arg0: i32) -> (i32, i32) {
    %c0_i32 = arith.constant 0 : i32
    %c0_i32_0 = arith.constant 0 : i32
    %c0_i32_1 = arith.constant 0 : i32
    return %c0_i32, %c0_i32_0 : i32, i32
  }
  func.func @transform_6(%arg0: i32) -> (i32, i32) {
    %c0_i32 = arith.constant 0 : i32
    %c0_i32_0 = arith.constant 0 : i32
    %c0_i32_1 = arith.constant 0 : i32
    return %c0_i32, %c0_i32_0 : i32, i32
  }
  func.func @transform_7(%arg0: i32) -> (i32, i32) {
    %c0_i32 = arith.constant 0 : i32
    %c0_i32_0 = arith.constant 0 : i32
    %c0_i32_1 = arith.constant 0 : i32
    return %c0_i32, %c0_i32_0 : i32, i32
  }
  func.func @transform_8(%arg0: i32) -> (i32, i32) {
    %c0_i32 = arith.constant 0 : i32
    %c0_i32_0 = arith.constant 0 : i32
    %c0_i32_1 = arith.constant 0 : i32
    return %c0_i32, %c0_i32_0 : i32, i32
  }
  func.func @transform_9(%arg0: i32) -> (i32, i32) {
    %c0_i32 = arith.constant 0 : i32
    %c0_i32_0 = arith.constant 0 : i32
    %c0_i32_1 = arith.constant 0 : i32
    return %c0_i32, %c0_i32_0 : i32, i32
  }
  func.func @transform_10(%arg0: i32) -> (i32, i32) {
    %c0_i32 = arith.constant 0 : i32
    %c0_i32_0 = arith.constant 0 : i32
    %c0_i32_1 = arith.constant 0 : i32
    return %c0_i32, %c0_i32_0 : i32, i32
  }
  func.func @transform_11(%arg0: i32) -> (i32, i32) {
    %c0_i32 = arith.constant 0 : i32
    %c0_i32_0 = arith.constant 0 : i32
    %c0_i32_1 = arith.constant 0 : i32
    return %c0_i32, %c0_i32_0 : i32, i32
  }
  func.func @transform_12(%arg0: i32) -> (i32, i32) {
    %c0_i32 = arith.constant 0 : i32
    %c0_i32_0 = arith.constant 0 : i32
    %c0_i32_1 = arith.constant 0 : i32
    return %c0_i32, %c0_i32_0 : i32, i32
  }
  func.func @transform_13(%arg0: i32) -> (i32, i32) {
    %c0_i32 = arith.constant 0 : i32
    %c0_i32_0 = arith.constant 0 : i32
    return %arg0, %c0_i32 : i32, i32
  }
  func.func @transform_14(%arg0: i32) -> (i32, i32) {
    %c0_i32 = arith.constant 0 : i32
    %c0_i32_0 = arith.constant 0 : i32
    return %arg0, %c0_i32 : i32, i32
  }
}

</mosaic_0001>

<sc_bundles>
// kernel: kernel.11.cloned.1.call-start
scs
__scs_entry_jumppad:
0x0: {  	(pc) =	sbr.rel $0x88, $3  }
0x1: {  	(tag) =	ssettag $0x0;
	lr =	simm.s32 $0x1  }
0x2: {  	[smem:$0x3F8D] =	sst lr;
	_ =	strace $0xD0000000  }
0x3: {  	_ = 	snop  }
0x4: {  	_ = 	snop  }
0x5: {  	_ = 	snop  }
0x6: {  	_ = 	snop  }
0x7: {  	_ = 	snop  }
__scs_overlays_trampoline_lowered:
0x8: {  	[smem:$0x3F9C] =	sst s0  }
0x9: {  	[smem:$0x3F9D] =	sst s1  }
0xa: {  	[smem:$0x3F9E] =	sst s2  }
0xb: {  	[smem:$0x3F9F] =	sst s3  }
0xc: {  	[smem:$0x3FA0] =	sst s4  }
0xd: {  	[smem:$0x3FA1] =	sst s5  }
0xe: {  	[smem:$0x3FA2] =	sst s6  }
0xf: {  	[smem:$0x3FA3] =	sst s7  }
0x10: {  	[smem:$0x3FA4] =	sst s8  }
0x11: {  	[smem:$0x3FA5] =	sst s9;
	s0 =	simm.s32 @!p0 $0x0  }
0x12: {  	s1 =	sld [smem:$0x3F8B];
	s0 =	simm.s32 @p0 $0x1  }
0x13: {  	[smem:$0x3FA6] =	sst s0;
	s0 =	simm.s32 @!p1 $0x0  }
0x14: {  	s2 =	sld [smem:$0x3F8A];
	s0 =	simm.s32 @p1 $0x1  }
0x15: {  	[smem:$0x3FA7] =	sst s0;
	s0 =	simm.s32 @!p2 $0x0  }
0x16: {  	s3 =	sld [smem:$0x3FDB];
	s0 =	simm.s32 @p2 $0x1  }
0x17: {  	s4 =	simm.s32 $0x1BF5;
	[smem:$0x3FA9] =	sst s0  }
0x18: {  	s0 =	sld [smem:$0x3F8C];
	_ =	swait.ge [sflag:s4], $0x0  }
0x19: {  	s7 =	sld [smem:$0x3F8D]  }
0x1a: {  	s8 =	sadd.s32 $0xFFFFE003, lr  }
0x1b: {  	s9 =	sadd.s32 $0xFFFFFEF7, lr;
	s5 =	simm.s32 $0xFFFFFFFF;
	p2 =	slt.u32 s8, $0xFFFFF086  }
0x1c: {  	p1 =	slt.u32 s9, $0xF7A;
	s5 =	simm.s32 @!p2 $0x0  }
0x1d: {  	s5 =	simm.s32 @p1 $0x1;
	p0 =	seq.s32 s7, s2  }
0x1e: {  	s7 =	smul.u32 @!p0 $0xF7A, s2;
	p2 =	seq.s32 @!p0 s5, $0x0  }
0x1f: {  	s9 =	smul.u32 $0xF7A, s1;
	s8 =	simm.s32 @!p0 $0x1BF5;
	p2 =	por !p2, p0  }
0x20: {  	[sflag:s8] =	ssyncset.s32 @!p0 $0xFFFFF086;
	s6 =	sadd.s32 @!p0 s3, s7;
	s7 =	simm.s32 @!p0 $0x108  }
0x21: {  	s3 =	sadd.s32 s3, s9;
	s6 =	sadd.s32 @!p0 $0x88, s6;
	s7 =	simm.s32 @p2 $0x1082  }
0x22: {  	[simem:s7], [sflag:s8] =	dma.local @!p0 [hbm:s6], $0xF7A  }
0x23: {  	s9 =	sor.u32 $0xD0000000, s2;
	s6 =	simm.s32 $0x108;
	_ =	swait.ge @!p0 [sflag:s8], $0x0  }
0x24: {  	s3 =	sadd.s32 $0x88, s3;
	s6 =	simm.s32 @!p1 $0x1082;
	[sflag:s4] =	ssyncset.s32 $0xFFFFF086  }
0x25: {  	[simem:s6], [sflag:s4] =	dma.local [hbm:s3], $0xF7A  }
0x26: {  	[smem:$0x3F8D] =	sst s1;
	(tag) =	ssettag s2;
	_ =	strace s9  }
0x27: {  	s1 =	sld [smem:$0x3F9D]  }
0x28: {  	s2 =	sld [smem:$0x3F9E]  }
0x29: {  	s4 =	sld [smem:$0x3FA0]  }
0x2a: {  	p0 =	seq.s32 s5, $0x0;
	s5 =	sld [smem:$0x3FA1]  }
0x2b: {  	s6 =	sld [smem:$0x3FA2]  }
0x2c: {  	s7 =	sld [smem:$0x3FA3]  }
0x2d: {  	s3 =	simm.s32 $0x108;
	s8 =	sld [smem:$0x3FA4]  }
0x2e: {  	s3 =	simm.s32 @!p0 $0x1082;
	s9 =	sld [smem:$0x3FA5]  }
0x2f: {  	lr =	sadd.s32 s0, s3;
	s0 =	sld [smem:$0x3F9C]  }
0x30: {  	s3 =	sld [smem:$0x3F9F]  }
0x31: {  	[smem:$0x3FA8] =	sst s10  }
0x32: {  	s10 =	sld [smem:$0x3FA6];
	_ =	sdelay $0x3  }
0x33: {  	p0 =	seq.s32 s10, $0x1;
	s10 =	sld [smem:$0x3FA8];
	_ =	sdelay $0x3  }
0x34: {  	[smem:$0x3FA8] =	sst s10  }
0x35: {  	s10 =	sld [smem:$0x3FA7];
	_ =	sdelay $0x3  }
0x36: {  	p1 =	seq.s32 s10, $0x1;
	s10 =	sld [smem:$0x3FA8];
	_ =	sdelay $0x3  }
0x37: {  	[smem:$0x3FA8] =	sst s10  }
0x38: {  	s10 =	sld [smem:$0x3FA9]  }
0x39: {  	_ = 	snop;
	(pc) =	sbr.ind lr, $3  }
0x3a: {  	_ = 	snop  }
0x3b: {  	_ = 	snop  }
0x3c: {  	p2 =	seq.s32 s10, $0x1;
	s10 =	sld [smem:$0x3FA8]  }
0x3d: {  	_ =	shalt  }
0x3e: {  	_ =	shalt  }
0x3f: {  	_ =	shalt  }
0x40: {  	_ =	shalt  }
0x41: {  	_ =	shalt  }
0x42: {  	_ =	shalt  }
0x43: {  	_ =	shalt  }
0x44: {  	_ =	shalt  }
0x45: {  	_ =	shalt  }
0x46: {  	_ =	shalt  }
0x47: {  	_ =	shalt  }
0x48: {  	_ =	shalt  }
0x49: {  	_ =	shalt  }
0x4a: {  	_ =	shalt  }
0x4b: {  	_ =	shalt  }
0x4c: {  	_ =	shalt  }
0x4d: {  	_ =	shalt  }
0x4e: {  	_ =	shalt  }
0x4f: {  	_ =	shalt  }
0x50: {  	_ =	shalt  }
0x51: {  	_ =	shalt  }
0x52: {  	_ =	shalt  }
0x53: {  	_ =	shalt  }
0x54: {  	_ =	shalt  }
0x55: {  	_ =	shalt  }
0x56: {  	_ =	shalt  }
0x57: {  	_ =	shalt  }
0x58: {  	_ =	shalt  }
0x59: {  	_ =	shalt  }
0x5a: {  	_ =	shalt  }
0x5b: {  	_ =	shalt  }
0x5c: {  	_ =	shalt  }
0x5d: {  	_ =	shalt  }
0x5e: {  	_ =	shalt  }
0x5f: {  	_ =	shalt  }
0x60: {  	_ =	shalt  }
0x61: {  	_ =	shalt  }
0x62: {  	_ =	shalt  }
0x63: {  	_ =	shalt  }
0x64: {  	_ =	shalt  }
0x65: {  	_ =	shalt  }
0x66: {  	_ =	shalt  }
0x67: {  	_ =	shalt  }
0x68: {  	_ =	shalt  }
0x69: {  	_ =	shalt  }
0x6a: {  	_ =	shalt  }
0x6b: {  	_ =	shalt  }
0x6c: {  	_ =	shalt  }
0x6d: {  	_ =	shalt  }
0x6e: {  	_ =	shalt  }
0x6f: {  	_ =	shalt  }
0x70: {  	_ =	shalt  }
0x71: {  	_ =	shalt  }
0x72: {  	_ =	shalt  }
0x73: {  	_ =	shalt  }
0x74: {  	_ =	shalt  }
0x75: {  	_ =	shalt  }
0x76: {  	_ =	shalt  }
0x77: {  	_ =	shalt  }
0x78: {  	_ =	shalt  }
0x79: {  	_ =	shalt  }
0x7a: {  	_ =	shalt  }
0x7b: {  	_ =	shalt  }
0x7c: {  	_ =	shalt  }
0x7d: {  	_ =	shalt  }
0x7e: {  	_ =	shalt  }
0x7f: {  	_ =	shalt  }
0x80: {  	_ =	shalt  }
0x81: {  	_ =	shalt  }
0x82: {  	_ =	shalt  }
0x83: {  	_ =	shalt  }
0x84: {  	_ =	shalt  }
0x85: {  	_ =	shalt  }
0x86: {  	_ =	shalt  }
0x87: {  	_ =	shalt  }
.Lfunc_end0:
.L_simem_size_0:
called_computation.1_lowered:
.L_overlay_start_0:
0x88: {  	s2 =	sld [smem:$0x3FD9]  }
0x89: {  	s3 =	sld [smem:$0x3FFE];
	_ =	sdelay $0x1  }
0x8a: {  	s1 =	srdreg.scid  }
0x8b: {  	s0 =	sand.u32 $0x1, s1  }
0x8c: {  	s16 =	sshll.u32 s0, $0xA;
	s2 =	sadd.s32 s3, s2  }
0x8d: {  	s2 =	sadd.s32 s2, s16  }
0x8e: {  	[smem:$0x3FB4] =	sst s2  }
0x8f: {  	_ = 	snop  }
0x90: {  	(tm) =	ssettm $0x1  }
0x91: {  	s17 =	sld [smem:$0x3FFB];
	_ =	sdelay $0x3  }
0x92: {  	_ =	strace s17  }
0x93: {  	s2 =	sld [smem:$0x3FFC];
	_ =	sdelay $0x3  }
0x94: {  	_ =	strace s2  }
0x95: {  	s2 =	sld [smem:$0x3FFD];
	_ =	sdelay $0x3  }
0x96: {  	_ =	strace s2  }
0x97: {  	_ =	strace $0x8FFFFFFF  }
0x98: {  	s18 =	sld [smem:$0x3FDB];
	_ =	sdelay $0x1  }
0x99: {  	s19 =	simm.s32 $_scs_section_size  }
0x9a: {  	s4 =	simm.s32 $_size__tile_overlayer_lowered;
	s5 =	simm.s32 $_tile_overlayer_lowered  }
0x9b: {  	s22 =	simm.s32 $0x1BFF;
	s21 =	sshll.u32 s5, $0x1;
	s2 =	sadd.s32 s19, s18  }
0x9c: {  	s6 =	simm.s32 $0x0;
	s20 =	sshll.u32 s4, $0x1;
	s4 =	sadd.s32 s21, s2  }
0x9d: {  	[timem:s6], [sflag:s22] =	dma.local [hbm:s4], s20  }
0x9e: {  	_ =	swait.ge [sflag:s22], s20  }
0x9f: {  	s3 =	ssub.s32 $0x0, s20;
	[sflag:s22] =	ssyncset.done $0x0  }
0xa0: {  	[sflag:s22] =	ssyncadd.s32 s3;
	_ =	sdelay $0x1  }
0xa1: {  	s23 =	simm.s32 $0x1B8B  }
0xa2: {  	_ =	swait.ge [sflag:s23], $0x1  }
0xa3: {  	[sflag:s23] =	ssyncset.done $0x0  }
0xa4: {  	s25 =	simm.s32 $0x1B8E;
	s24 =	sld [smem:$0x3FFE];
	[sflag:s23] =	ssyncadd.s32 $0xFFFFFFFF  }
0xa5: {  	s26 =	simm.s32 $execute0_lowered;
	[smem:$0x3FD2] =	sst s25  }
0xa6: {  	s4 =	sshll.u32 s26, $0x1;
	_ =	strace $0x80000049;
	[dreg:$0x1] =	wrdreg $0xFFFFFFFF  }
0xa7: {  	s28 =	simm.s32 $_size_execute0_lowered;
	s2 =	sadd.s32 s2, s4;
	[dreg:$0x0] =	wrdreg $0x0  }
0xa8: {  	s4 =	sshll.u32 s28, $0x1;
	[dreg:$0x2] =	wrdreg s2  }
0xa9: {  	[dreg:$0x3] =	wrdreg s4  }
0xaa: {  	[dreg:$0x4] =	wrdreg $0xC0  }
0xab: {  	_ =	task [dreg:s6], $0x5FFFF  }
0xac: {  	[dreg:$0x1] =	wrdreg $0xFFFFFFFF  }
0xad: {  	[dreg:$0x0] =	wrdreg $0x60  }
0xae: {  	[dreg:$0x2] =	wrdreg s24  }
0xaf: {  	[dreg:$0x3] =	wrdreg $0x9  }
0xb0: {  	_ =	task.clear_ibuf [dreg:s6], $0x4FFFF;
	_ =	strace $0x90000049  }
0xb1: {  	s29 =	simm.s32 $0x9;
	_ =	strace $0x8000004B  }
0xb2: {  	_ =	swait.ge [sflag:s29], $0x1  }
0xb3: {  	[sflag:s29] =	ssyncadd.s32 $0xFFFFFFFF  }
0xb4: {  	_ =	strace $0x9000004B  }
0xb5: {  	_ =	sfence  }
0xb6: {  	s30 =	sld [smem:$0x0];
	_ =	sdelay $0x2  }
0xb7: {  	s31 =	sshll.u32 s1, $0xD;
	s1 =	sshrl.u32 s1, $0x2  }
0xb8: {  	s3 =	sand.u32 $0x4000, s31;
	s1 =	sadd.s32 s1, s30  }
0xb9: {  	s0 =	sor.u32 s3, s0;
	s1 =	sshll.u32 s1, $0x11  }
0xba: {  	s0 =	sor.u32 s1, s0  }
0xbb: {  	s0 =	sadd.s32 $0x8F2B, s0  }
0xbc: {  	[sflag:s0] =	ssyncadd.remote.s32 $0x1  }
0xbd: {  	_ =	sfence.sel $0xFFFF  }
0xbe: {  	[dreg:$0x0] =	wrdreg $0xFFFFFFFF;
	(pc) =	sbr.abs _section_cstart, $3  }
0xbf: {  	[dreg:$0x1] =	wrdreg $0xFFFFFFFF  }
0xc0: {  	_ =	task.clear_ibuf [dreg:s6], $0x2FFFF;
	_ =	strace $0x9FFFFFFF  }
0xc1: {  	(tm) =	ssettm $0x7FFFFFFF  }
tec
execute0_lowered:
.L_overlay_start_1:
0x0: {  	(tag) =	ssettag $0x1  }
0x1: {  	s4 =	rddreg [dreg:$0x0]  }
0x2: {  	s0 =	rddreg [dreg:$0x1];
	s2 =	simm.s32 $0x0;
	s1 =	stileid.u32  }
0x3: {  	s5 =	srdreg.scid;
	s11 =	simm.s32 $0x4100;
	s12 =	simm.s32 $0x1  }
0x4: {  	s13 =	simm.s32 $0x2;
	s14 =	simm.s32 $0x0;
	[smem:$0x7FF] =	sst s2  }
0x5: {  	s3 =	sadd.s32 $0x9400, s4;
	s6 =	sshll.u32 s1, $0x11;
	s5 =	sand.u32 $0x1, s5  }
0x6: {  	s7 =	sadd.s32 $0x5400, s4;
	s9 =	sshll.u32 s1, $0xD;
	_ =	strace $0x8000004A  }
0x7: {  	s6 =	sadd.s32 s6, s4;
	s29 =	ssub.s32 $0x2, s5;
	s10 =	sshll.u32 s5, $0xC  }
0x8: {  	s5 =	sshll.u32 s5, $0x10;
	s8 =	sshrl.u32 s29, $0x1;
	s30 =	sor.u32 s10, s9  }
0x9: {  	s5 =	sadd.s32 s5, s6;
	s9 =	simm.s32 $0x80;
	s10 =	simm.s32 $0x100  }
0xa: {  	s4 =	ssub.s32 s29, s8;
	s31 =	sor.u32 $0x80, s30;
	s5 =	sadd.s32 $0x29C00, s5  }
0xb: {  	s8 =	sshrl.u32 s30, $0x3;
	s4 =	smax.u32 s4, $0x1;
	s6 =	sshrl.u32 s31, $0x3  }
0xc: {  	s6 =	sadd.s32 s6, s7;
	s7 =	sadd.s32 s8, s7;
	s8 =	simm.s32 $0x3  }
.LBB2_1:
0xd: {  	s15 =	sadd.s32 $0x0, s7  }
0xe: {  	[tilespmem:s2], [sflag:$0x3] =	stream.linear.gather [hbm4b:s15+s2], $0x80, $0x38;
	[tilespmem:$0x8100] =	vst v63  }
0xf: {  	_ =	swait.ge [sflag:s8], $0x80  }
0x10: {  	[sflag:s8] =	ssyncset.done $0x0  }
0x11: {  	[sflag:s8] =	ssyncadd.s32 $0xFFFFFF80  }
0x12: {  	[tilespmem:s10], [sflag:$0x1] =	stream.indirect.gather [hbm4b:s3+s9], $0x80, s2, s9, $0xb8;
	[tilespmem:$0x8100] =	vst v63  }
0x13: {  	s30 =	sadd.s32 $0x0, s6  }
0x14: {  	[tilespmem:s9], [sflag:$0x3] =	stream.linear.gather [hbm4b:s30+s2], $0x80, $0x38;
	[tilespmem:$0x8100] =	vst v63  }
0x15: {  	_ =	swait.ge [sflag:s8], $0x80  }
0x16: {  	[sflag:s8] =	ssyncset.done $0x0  }
0x17: {  	[sflag:s8] =	ssyncadd.s32 $0xFFFFFF80  }
0x18: {  	[tilespmem:s11], [sflag:$0x2] =	stream.indirect.gather [hbm4b:s3+s9], $0x80, s9, s9, $0xb8;
	[tilespmem:$0x8100] =	vst v63  }
0x19: {  	_ =	swait.ge [sflag:s12], $0x4000  }
0x1a: {  	[sflag:s12] =	ssyncset.done $0x0  }
0x1b: {  	s31 =	sadd.s32 $0xFFFFF800, s5;
	[sflag:s12] =	ssyncadd.s32 $0xFFFFC000  }
0x1c: {  	[hbm4b:s31+s2] =	stream.linear.scatter [tilespmem:s10], [sflag:$0x3], $0x4000, $0x38;
	[tilespmem:$0x8100] =	vst v63  }
0x1d: {  	_ =	swait.ge [sflag:s8], $0x4000  }
0x1e: {  	[sflag:s8] =	ssyncset.done $0x0  }
0x1f: {  	[sflag:s8] =	ssyncadd.s32 $0xFFFFC000  }
0x20: {  	_ =	swait.ge [sflag:s13], $0x4000  }
0x21: {  	[sflag:s13] =	ssyncset.done $0x0  }
0x22: {  	[sflag:s13] =	ssyncadd.s32 $0xFFFFC000  }
0x23: {  	[hbm4b:s5+s2] =	stream.linear.scatter [tilespmem:s11], [sflag:$0x3], $0x4000, $0x38;
	[tilespmem:$0x8100] =	vst v63  }
0x24: {  	s16 =	simm.s32 $0x20;
	_ =	swait.ge [sflag:s8], $0x4000  }
0x25: {  	s17 =	simm.s32 $0x40;
	s15 =	sadd.s32 $0x1000, s5;
	[sflag:s8] =	ssyncset.done $0x0  }
.LBB2_2:
0x26: {  	s18 =	sadd.s32 s16, s7  }
0x27: {  	[sflag:s8] =	ssyncadd.s32 $0xFFFFC000;
	s19 =	smov.u32 s17;
	s20 =	sadd.s32 $0x20, s17  }
0x28: {  	[tilespmem:s2], [sflag:$0x3] =	stream.linear.gather [hbm4b:s18+s2], $0x80, $0x38;
	[tilespmem:$0x8100] =	vst v63  }
0x29: {  	p0 =	sne.s32 s17, $0x1E0;
	_ =	swait.ge [sflag:s8], $0x80  }
0x2a: {  	[sflag:s8] =	ssyncset.done $0x0  }
0x2b: {  	[sflag:s8] =	ssyncadd.s32 $0xFFFFFF80  }
0x2c: {  	[tilespmem:s10], [sflag:$0x1] =	stream.indirect.gather [hbm4b:s3+s9], $0x80, s2, s9, $0xb8;
	[tilespmem:$0x8100] =	vst v63  }
0x2d: {  	s17 =	sadd.s32 s16, s6;
	s16 =	smov.u32 s19  }
0x2e: {  	[tilespmem:s9], [sflag:$0x3] =	stream.linear.gather [hbm4b:s17+s2], $0x80, $0x38;
	[tilespmem:$0x8100] =	vst v63  }
0x2f: {  	_ =	swait.ge [sflag:s8], $0x80  }
0x30: {  	[sflag:s8] =	ssyncset.done $0x0  }
0x31: {  	[sflag:s8] =	ssyncadd.s32 $0xFFFFFF80  }
0x32: {  	[tilespmem:s11], [sflag:$0x2] =	stream.indirect.gather [hbm4b:s3+s9], $0x80, s9, s9, $0xb8;
	[tilespmem:$0x8100] =	vst v63  }
0x33: {  	_ =	swait.ge [sflag:s12], $0x4000  }
0x34: {  	[sflag:s12] =	ssyncset.done $0x0  }
0x35: {  	s17 =	sadd.s32 $0xFFFFF800, s15;
	[sflag:s12] =	ssyncadd.s32 $0xFFFFC000  }
0x36: {  	[hbm4b:s17+s2] =	stream.linear.scatter [tilespmem:s10], [sflag:$0x3], $0x4000, $0x38;
	[tilespmem:$0x8100] =	vst v63  }
0x37: {  	_ =	swait.ge [sflag:s8], $0x4000  }
0x38: {  	[sflag:s8] =	ssyncset.done $0x0  }
0x39: {  	[sflag:s8] =	ssyncadd.s32 $0xFFFFC000  }
0x3a: {  	_ =	swait.ge [sflag:s13], $0x4000  }
.Ltmp0:
0x3b: {  	[sflag:s13] =	ssyncset.done $0x0;
	(pc) =	sbr.rel @p0 .LBB2_2-.Ltmp0, $4  }
0x3c: {  	[sflag:s13] =	ssyncadd.s32 $0xFFFFC000  }
0x3d: {  	[hbm4b:s15+s2] =	stream.linear.scatter [tilespmem:s11], [sflag:$0x3], $0x4000, $0x38;
	[tilespmem:$0x8100] =	vst v63  }
0x3e: {  	_ =	swait.ge [sflag:s8], $0x4000  }
0x3f: {  	s17 =	smov.u32 s20;
	s15 =	sadd.s32 $0x1000, s15;
	[sflag:s8] =	ssyncset.done $0x0  }
0x40: {  	s17 =	sadd.s32 s16, s7;
	[sflag:s8] =	ssyncadd.s32 $0xFFFFC000  }
0x41: {  	[tilespmem:s2], [sflag:$0x3] =	stream.linear.gather [hbm4b:s17+s2], $0x80, $0x38;
	[tilespmem:$0x8100] =	vst v63  }
0x42: {  	_ =	swait.ge [sflag:s8], $0x80  }
0x43: {  	[sflag:s8] =	ssyncset.done $0x0  }
0x44: {  	[sflag:s8] =	ssyncadd.s32 $0xFFFFFF80  }
0x45: {  	[tilespmem:s10], [sflag:$0x1] =	stream.indirect.gather [hbm4b:s3+s9], $0x80, s2, s9, $0xb8;
	[tilespmem:$0x8100] =	vst v63  }
0x46: {  	s30 =	sadd.s32 s16, s6  }
0x47: {  	[tilespmem:s9], [sflag:$0x3] =	stream.linear.gather [hbm4b:s30+s2], $0x80, $0x38;
	[tilespmem:$0x8100] =	vst v63  }
0x48: {  	_ =	swait.ge [sflag:s8], $0x80  }
0x49: {  	[sflag:s8] =	ssyncset.done $0x0  }
0x4a: {  	[sflag:s8] =	ssyncadd.s32 $0xFFFFFF80  }
0x4b: {  	[tilespmem:s11], [sflag:$0x2] =	stream.indirect.gather [hbm4b:s3+s9], $0x80, s9, s9, $0xb8;
	[tilespmem:$0x8100] =	vst v63  }
0x4c: {  	_ =	swait.ge [sflag:s12], $0x4000  }
0x4d: {  	[sflag:s12] =	ssyncset.done $0x0  }
0x4e: {  	s31 =	sadd.s32 $0xFFFFF800, s15;
	[sflag:s12] =	ssyncadd.s32 $0xFFFFC000  }
0x4f: {  	[hbm4b:s31+s2] =	stream.linear.scatter [tilespmem:s10], [sflag:$0x3], $0x4000, $0x38;
	[tilespmem:$0x8100] =	vst v63  }
0x50: {  	_ =	swait.ge [sflag:s8], $0x4000  }
0x51: {  	[sflag:s8] =	ssyncset.done $0x0  }
0x52: {  	[sflag:s8] =	ssyncadd.s32 $0xFFFFC000  }
0x53: {  	s14 =	sadd.s32 $0x1, s14;
	_ =	swait.ge [sflag:s13], $0x4000  }
0x54: {  	p0 =	sne.s32 s14, s4;
	[sflag:s13] =	ssyncset.done $0x0  }
.Ltmp1:
0x55: {  	[sflag:s13] =	ssyncadd.s32 $0xFFFFC000;
	(pc) =	sbr.rel @p0 .LBB2_1-.Ltmp1, $4  }
0x56: {  	[hbm4b:s15+s2] =	stream.linear.scatter [tilespmem:s11], [sflag:$0x3], $0x4000, $0x38;
	[tilespmem:$0x8100] =	vst v63  }
0x57: {  	_ =	swait.ge [sflag:s8], $0x4000  }
0x58: {  	[sflag:s8] =	ssyncset.done $0x0  }
0x59: {  	[sflag:s8] =	ssyncadd.s32 $0xFFFFC000  }
0x5a: {  	_ =	sfence.sel $0x180000  }
0x5b: {  	[bflag:$0x0] =	sbarrier.arrive $0xFFFF  }
0x5c: {  	p0 =	sne.s32 s1, $0x0;
	_ =	strace $0x9000004A  }
0x5d: {  	s0 =	sadd.s32 @!p0 $0x100000, s0;
	[bflag:$0x2] =	sbarrier.arrive $0xFFFF  }
0x5e: {  	[sflag:s0] =	ssyncadd.tile.s32 @!p0 $0x1;
	_ =	shalt  }
.Lfunc_end2:
_tile_overlayer_lowered:
.L_overlay_start_2:
0x5f: {  	(tag) =	ssettag $0x2  }
0x60: {  	s0 =	rddreg [dreg:$0x0];
	s2 =	stileid.u32  }
0x61: {  	s1 =	rddreg [dreg:$0x1];
	p0 =	sne.s32 s2, $0x0  }
0x62: {  	s3 =	rddreg [dreg:$0x2];
	[bflag:$0x3] =	sbarrier.arrive $0xFFFF;
	s2 =	simm.s32 @!p0 $0x1C03  }
0x63: {  	[timem:s3], [sflag:s2] =	dma.local @!p0 [hbm:s0], s1  }
0x64: {  	s0 =	simm.s32 @!p0 $0x3  }
0x65: {  	_ =	swait.ge @!p0 [sflag:s0], s1  }
0x66: {  	s1 =	ssub.s32 @!p0 $0x0, s1;
	[sflag:s0] =	ssyncset.done @!p0 $0x0  }
0x67: {  	[sflag:s0] =	ssyncadd.s32 @!p0 s1  }
0x68: {  	[bflag:$0x3] =	sbarrier.arrive $0xFFFF  }
0x69: {  	_ =	shalt  }

// kernel: kernel.8.cloned.1.call-start
scs
__scs_entry_jumppad:
0x0: {  	(pc) =	sbr.rel $0x88, $3  }
0x1: {  	(tag) =	ssettag $0x0;
	lr =	simm.s32 $0x1  }
0x2: {  	[smem:$0x3F8D] =	sst lr;
	_ =	strace $0xD0000000  }
0x3: {  	_ = 	snop  }
0x4: {  	_ = 	snop  }
0x5: {  	_ = 	snop  }
0x6: {  	_ = 	snop  }
0x7: {  	_ = 	snop  }
__scs_overlays_trampoline_lowered:
0x8: {  	[smem:$0x3F9C] =	sst s0  }
0x9: {  	[smem:$0x3F9D] =	sst s1  }
0xa: {  	[smem:$0x3F9E] =	sst s2  }
0xb: {  	[smem:$0x3F9F] =	sst s3  }
0xc: {  	[smem:$0x3FA0] =	sst s4  }
0xd: {  	[smem:$0x3FA1] =	sst s5  }
0xe: {  	[smem:$0x3FA2] =	sst s6  }
0xf: {  	[smem:$0x3FA3] =	sst s7  }
0x10: {  	[smem:$0x3FA4] =	sst s8  }
0x11: {  	[smem:$0x3FA5] =	sst s9;
	s0 =	simm.s32 @!p0 $0x0  }
0x12: {  	s1 =	sld [smem:$0x3F8B];
	s0 =	simm.s32 @p0 $0x1  }
0x13: {  	[smem:$0x3FA6] =	sst s0;
	s0 =	simm.s32 @!p1 $0x0  }
0x14: {  	s2 =	sld [smem:$0x3F8A];
	s0 =	simm.s32 @p1 $0x1  }
0x15: {  	[smem:$0x3FA7] =	sst s0;
	s0 =	simm.s32 @!p2 $0x0  }
0x16: {  	s3 =	sld [smem:$0x3FDB];
	s0 =	simm.s32 @p2 $0x1  }
0x17: {  	s4 =	simm.s32 $0x1BF5;
	[smem:$0x3FA9] =	sst s0  }
0x18: {  	s0 =	sld [smem:$0x3F8C];
	_ =	swait.ge [sflag:s4], $0x0  }
0x19: {  	s7 =	sld [smem:$0x3F8D]  }
0x1a: {  	s8 =	sadd.s32 $0xFFFFE003, lr  }
0x1b: {  	s9 =	sadd.s32 $0xFFFFFEF7, lr;
	s5 =	simm.s32 $0xFFFFFFFF;
	p2 =	slt.u32 s8, $0xFFFFF086  }
0x1c: {  	p1 =	slt.u32 s9, $0xF7A;
	s5 =	simm.s32 @!p2 $0x0  }
0x1d: {  	s5 =	simm.s32 @p1 $0x1;
	p0 =	seq.s32 s7, s2  }
0x1e: {  	s7 =	smul.u32 @!p0 $0xF7A, s2;
	p2 =	seq.s32 @!p0 s5, $0x0  }
0x1f: {  	s9 =	smul.u32 $0xF7A, s1;
	s8 =	simm.s32 @!p0 $0x1BF5;
	p2 =	por !p2, p0  }
0x20: {  	[sflag:s8] =	ssyncset.s32 @!p0 $0xFFFFF086;
	s6 =	sadd.s32 @!p0 s3, s7;
	s7 =	simm.s32 @!p0 $0x108  }
0x21: {  	s3 =	sadd.s32 s3, s9;
	s6 =	sadd.s32 @!p0 $0x88, s6;
	s7 =	simm.s32 @p2 $0x1082  }
0x22: {  	[simem:s7], [sflag:s8] =	dma.local @!p0 [hbm:s6], $0xF7A  }
0x23: {  	s9 =	sor.u32 $0xD0000000, s2;
	s6 =	simm.s32 $0x108;
	_ =	swait.ge @!p0 [sflag:s8], $0x0  }
0x24: {  	s3 =	sadd.s32 $0x88, s3;
	s6 =	simm.s32 @!p1 $0x1082;
	[sflag:s4] =	ssyncset.s32 $0xFFFFF086  }
0x25: {  	[simem:s6], [sflag:s4] =	dma.local [hbm:s3], $0xF7A  }
0x26: {  	[smem:$0x3F8D] =	sst s1;
	(tag) =	ssettag s2;
	_ =	strace s9  }
0x27: {  	s1 =	sld [smem:$0x3F9D]  }
0x28: {  	s2 =	sld [smem:$0x3F9E]  }
0x29: {  	s4 =	sld [smem:$0x3FA0]  }
0x2a: {  	p0 =	seq.s32 s5, $0x0;
	s5 =	sld [smem:$0x3FA1]  }
0x2b: {  	s6 =	sld [smem:$0x3FA2]  }
0x2c: {  	s7 =	sld [smem:$0x3FA3]  }
0x2d: {  	s3 =	simm.s32 $0x108;
	s8 =	sld [smem:$0x3FA4]  }
0x2e: {  	s3 =	simm.s32 @!p0 $0x1082;
	s9 =	sld [smem:$0x3FA5]  }
0x2f: {  	lr =	sadd.s32 s0, s3;
	s0 =	sld [smem:$0x3F9C]  }
0x30: {  	s3 =	sld [smem:$0x3F9F]  }
0x31: {  	[smem:$0x3FA8] =	sst s10  }
0x32: {  	s10 =	sld [smem:$0x3FA6];
	_ =	sdelay $0x3  }
0x33: {  	p0 =	seq.s32 s10, $0x1;
	s10 =	sld [smem:$0x3FA8];
	_ =	sdelay $0x3  }
0x34: {  	[smem:$0x3FA8] =	sst s10  }
0x35: {  	s10 =	sld [smem:$0x3FA7];
	_ =	sdelay $0x3  }
0x36: {  	p1 =	seq.s32 s10, $0x1;
	s10 =	sld [smem:$0x3FA8];
	_ =	sdelay $0x3  }
0x37: {  	[smem:$0x3FA8] =	sst s10  }
0x38: {  	s10 =	sld [smem:$0x3FA9]  }
0x39: {  	_ = 	snop;
	(pc) =	sbr.ind lr, $3  }
0x3a: {  	_ = 	snop  }
0x3b: {  	_ = 	snop  }
0x3c: {  	p2 =	seq.s32 s10, $0x1;
	s10 =	sld [smem:$0x3FA8]  }
0x3d: {  	_ =	shalt  }
0x3e: {  	_ =	shalt  }
0x3f: {  	_ =	shalt  }
0x40: {  	_ =	shalt  }
0x41: {  	_ =	shalt  }
0x42: {  	_ =	shalt  }
0x43: {  	_ =	shalt  }
0x44: {  	_ =	shalt  }
0x45: {  	_ =	shalt  }
0x46: {  	_ =	shalt  }
0x47: {  	_ =	shalt  }
0x48: {  	_ =	shalt  }
0x49: {  	_ =	shalt  }
0x4a: {  	_ =	shalt  }
0x4b: {  	_ =	shalt  }
0x4c: {  	_ =	shalt  }
0x4d: {  	_ =	shalt  }
0x4e: {  	_ =	shalt  }
0x4f: {  	_ =	shalt  }
0x50: {  	_ =	shalt  }
0x51: {  	_ =	shalt  }
0x52: {  	_ =	shalt  }
0x53: {  	_ =	shalt  }
0x54: {  	_ =	shalt  }
0x55: {  	_ =	shalt  }
0x56: {  	_ =	shalt  }
0x57: {  	_ =	shalt  }
0x58: {  	_ =	shalt  }
0x59: {  	_ =	shalt  }
0x5a: {  	_ =	shalt  }
0x5b: {  	_ =	shalt  }
0x5c: {  	_ =	shalt  }
0x5d: {  	_ =	shalt  }
0x5e: {  	_ =	shalt  }
0x5f: {  	_ =	shalt  }
0x60: {  	_ =	shalt  }
0x61: {  	_ =	shalt  }
0x62: {  	_ =	shalt  }
0x63: {  	_ =	shalt  }
0x64: {  	_ =	shalt  }
0x65: {  	_ =	shalt  }
0x66: {  	_ =	shalt  }
0x67: {  	_ =	shalt  }
0x68: {  	_ =	shalt  }
0x69: {  	_ =	shalt  }
0x6a: {  	_ =	shalt  }
0x6b: {  	_ =	shalt  }
0x6c: {  	_ =	shalt  }
0x6d: {  	_ =	shalt  }
0x6e: {  	_ =	shalt  }
0x6f: {  	_ =	shalt  }
0x70: {  	_ =	shalt  }
0x71: {  	_ =	shalt  }
0x72: {  	_ =	shalt  }
0x73: {  	_ =	shalt  }
0x74: {  	_ =	shalt  }
0x75: {  	_ =	shalt  }
0x76: {  	_ =	shalt  }
0x77: {  	_ =	shalt  }
0x78: {  	_ =	shalt  }
0x79: {  	_ =	shalt  }
0x7a: {  	_ =	shalt  }
0x7b: {  	_ =	shalt  }
0x7c: {  	_ =	shalt  }
0x7d: {  	_ =	shalt  }
0x7e: {  	_ =	shalt  }
0x7f: {  	_ =	shalt  }
0x80: {  	_ =	shalt  }
0x81: {  	_ =	shalt  }
0x82: {  	_ =	shalt  }
0x83: {  	_ =	shalt  }
0x84: {  	_ =	shalt  }
0x85: {  	_ =	shalt  }
0x86: {  	_ =	shalt  }
0x87: {  	_ =	shalt  }
.Lfunc_end0:
.L_simem_size_0:
called_computation_lowered:
.L_overlay_start_0:
0x88: {  	s2 =	sld [smem:$0x3FD9]  }
0x89: {  	s3 =	sld [smem:$0x3FFE];
	_ =	sdelay $0x1  }
0x8a: {  	s1 =	srdreg.scid  }
0x8b: {  	s0 =	sand.u32 $0x1, s1  }
0x8c: {  	s16 =	sshll.u32 s0, $0xA;
	s2 =	sadd.s32 s3, s2  }
0x8d: {  	s2 =	sadd.s32 s2, s16  }
0x8e: {  	[smem:$0x3FB4] =	sst s2  }
0x8f: {  	_ = 	snop  }
0x90: {  	(tm) =	ssettm $0x1  }
0x91: {  	s17 =	sld [smem:$0x3FFB];
	_ =	sdelay $0x3  }
0x92: {  	_ =	strace s17  }
0x93: {  	s2 =	sld [smem:$0x3FFC];
	_ =	sdelay $0x3  }
0x94: {  	_ =	strace s2  }
0x95: {  	s2 =	sld [smem:$0x3FFD];
	_ =	sdelay $0x3  }
0x96: {  	_ =	strace s2  }
0x97: {  	_ =	strace $0x8FFFFFFF  }
0x98: {  	s18 =	sld [smem:$0x3FDB];
	_ =	sdelay $0x1  }
0x99: {  	s19 =	simm.s32 $_scs_section_size  }
0x9a: {  	s4 =	simm.s32 $_size__tile_overlayer_lowered;
	s5 =	simm.s32 $_tile_overlayer_lowered  }
0x9b: {  	s22 =	simm.s32 $0x1BFF;
	s21 =	sshll.u32 s5, $0x1;
	s2 =	sadd.s32 s19, s18  }
0x9c: {  	s6 =	simm.s32 $0x0;
	s20 =	sshll.u32 s4, $0x1;
	s4 =	sadd.s32 s21, s2  }
0x9d: {  	[timem:s6], [sflag:s22] =	dma.local [hbm:s4], s20  }
0x9e: {  	_ =	swait.ge [sflag:s22], s20  }
0x9f: {  	s3 =	ssub.s32 $0x0, s20;
	[sflag:s22] =	ssyncset.done $0x0  }
0xa0: {  	[sflag:s22] =	ssyncadd.s32 s3;
	_ =	sdelay $0x1  }
0xa1: {  	s23 =	simm.s32 $0x1B8B  }
0xa2: {  	_ =	swait.ge [sflag:s23], $0x1  }
0xa3: {  	[sflag:s23] =	ssyncset.done $0x0  }
0xa4: {  	s25 =	simm.s32 $0x1B8E;
	s24 =	sld [smem:$0x3FFE];
	[sflag:s23] =	ssyncadd.s32 $0xFFFFFFFF  }
0xa5: {  	s26 =	simm.s32 $execute0_lowered;
	[smem:$0x3FD2] =	sst s25  }
0xa6: {  	s4 =	sshll.u32 s26, $0x1;
	_ =	strace $0x80000046;
	[dreg:$0x1] =	wrdreg $0xFFFFFFFF  }
0xa7: {  	s28 =	simm.s32 $_size_execute0_lowered;
	s2 =	sadd.s32 s2, s4;
	[dreg:$0x0] =	wrdreg $0x0  }
0xa8: {  	s4 =	sshll.u32 s28, $0x1;
	[dreg:$0x2] =	wrdreg s2  }
0xa9: {  	[dreg:$0x3] =	wrdreg s4  }
0xaa: {  	[dreg:$0x4] =	wrdreg $0xC0  }
0xab: {  	_ =	task [dreg:s6], $0x5FFFF  }
0xac: {  	[dreg:$0x1] =	wrdreg $0xFFFFFFFF  }
0xad: {  	[dreg:$0x0] =	wrdreg $0x60  }
0xae: {  	[dreg:$0x2] =	wrdreg s24  }
0xaf: {  	[dreg:$0x3] =	wrdreg $0x9  }
0xb0: {  	_ =	task.clear_ibuf [dreg:s6], $0x4FFFF;
	_ =	strace $0x90000046  }
0xb1: {  	s29 =	simm.s32 $0x9;
	_ =	strace $0x80000048  }
0xb2: {  	_ =	swait.ge [sflag:s29], $0x1  }
0xb3: {  	[sflag:s29] =	ssyncadd.s32 $0xFFFFFFFF  }
0xb4: {  	_ =	strace $0x90000048  }
0xb5: {  	_ =	sfence  }
0xb6: {  	s30 =	sld [smem:$0x0];
	_ =	sdelay $0x2  }
0xb7: {  	s31 =	sshll.u32 s1, $0xD;
	s1 =	sshrl.u32 s1, $0x2  }
0xb8: {  	s3 =	sand.u32 $0x4000, s31;
	s1 =	sadd.s32 s1, s30  }
0xb9: {  	s0 =	sor.u32 s3, s0;
	s1 =	sshll.u32 s1, $0x11  }
0xba: {  	s0 =	sor.u32 s1, s0  }
0xbb: {  	s0 =	sadd.s32 $0x8F2B, s0  }
0xbc: {  	[sflag:s0] =	ssyncadd.remote.s32 $0x1  }
0xbd: {  	_ =	sfence.sel $0xFFFF  }
0xbe: {  	[dreg:$0x0] =	wrdreg $0xFFFFFFFF;
	(pc) =	sbr.abs _section_cstart, $3  }
0xbf: {  	[dreg:$0x1] =	wrdreg $0xFFFFFFFF  }
0xc0: {  	_ =	task.clear_ibuf [dreg:s6], $0x2FFFF;
	_ =	strace $0x9FFFFFFF  }
0xc1: {  	(tm) =	ssettm $0x7FFFFFFF  }
tec
execute0_lowered:
.L_overlay_start_1:
0x0: {  	(tag) =	ssettag $0x1  }
0x1: {  	s5 =	rddreg [dreg:$0x0]  }
0x2: {  	s0 =	rddreg [dreg:$0x1]  }
0x3: {  	s2 =	simm.s32 $0x0;
	s1 =	stileid.u32;
	s6 =	srdreg.scid  }
0x4: {  	s12 =	simm.s32 $0x100;
	s13 =	simm.s32 $0x4100;
	s14 =	simm.s32 $0x8100  }
0x5: {  	s15 =	simm.s32 $0xC100;
	s16 =	simm.s32 $0x1;
	s17 =	simm.s32 $0x2  }
0x6: {  	s18 =	simm.s32 $0x0;
	[smem:$0x7FF] =	sst s2;
	s3 =	sadd.s32 $0x29400, s5  }
0x7: {  	s4 =	sadd.s32 $0x9400, s5;
	s7 =	sshll.u32 s1, $0x11;
	s6 =	sand.u32 $0x1, s6  }
0x8: {  	s9 =	sadd.s32 $0x5400, s5;
	s10 =	sshll.u32 s1, $0xD;
	_ =	strace $0x80000047  }
0x9: {  	s7 =	sadd.s32 s7, s5;
	s30 =	ssub.s32 $0x2, s6;
	s11 =	sshll.u32 s6, $0xC  }
0xa: {  	s6 =	sshll.u32 s6, $0x10;
	s8 =	sshrl.u32 s30, $0x1;
	s31 =	sor.u32 s11, s10  }
0xb: {  	s7 =	sadd.s32 s6, s7;
	s5 =	ssub.s32 s30, s8;
	s10 =	sor.u32 $0x80, s31  }
0xc: {  	s6 =	sadd.s32 $0x49400, s7;
	s11 =	sshrl.u32 s31, $0x3;
	s10 =	sshrl.u32 s10, $0x3  }
0xd: {  	s7 =	sadd.s32 $0x249400, s7;
	s5 =	smax.u32 s5, $0x1;
	s8 =	sadd.s32 s10, s9  }
0xe: {  	s9 =	sadd.s32 s11, s9;
	s10 =	simm.s32 $0x3;
	s11 =	simm.s32 $0x80  }
.LBB2_1:
0xf: {  	[tilespmem:s2], [sflag:$0x3] =	stream.linear.gather [hbm4b:s9+s2], $0x80, $0x38;
	[tilespmem:$0x10100] =	vst v63  }
0x10: {  	_ =	swait.ge [sflag:s10], $0x80  }
0x11: {  	[sflag:s10] =	ssyncset.done $0x0  }
0x12: {  	[sflag:s10] =	ssyncadd.s32 $0xFFFFFF80  }
0x13: {  	[tilespmem:s12], [sflag:$0x1] =	stream.indirect.gather [hbm4b:s3+s11], $0x80, s2, s11, $0xb8;
	[tilespmem:$0x10100] =	vst v63  }
0x14: {  	_ = 	snop  }
0x15: {  	[tilespmem:s13], [sflag:$0x1] =	stream.indirect.gather [hbm4b:s4+s11], $0x80, s2, s11, $0xb8;
	[tilespmem:$0x10100] =	vst v63  }
0x16: {  	_ = 	snop  }
0x17: {  	[tilespmem:s11], [sflag:$0x3] =	stream.linear.gather [hbm4b:s8+s2], $0x80, $0x38;
	[tilespmem:$0x10100] =	vst v63  }
0x18: {  	_ =	swait.ge [sflag:s10], $0x80  }
0x19: {  	[sflag:s10] =	ssyncset.done $0x0  }
0x1a: {  	[sflag:s10] =	ssyncadd.s32 $0xFFFFFF80  }
0x1b: {  	[tilespmem:s14], [sflag:$0x2] =	stream.indirect.gather [hbm4b:s3+s11], $0x80, s11, s11, $0xb8;
	[tilespmem:$0x10100] =	vst v63  }
0x1c: {  	_ = 	snop  }
0x1d: {  	[tilespmem:s15], [sflag:$0x2] =	stream.indirect.gather [hbm4b:s4+s11], $0x80, s11, s11, $0xb8;
	[tilespmem:$0x10100] =	vst v63  }
0x1e: {  	_ =	swait.ge [sflag:s16], $0x4000  }
0x1f: {  	[sflag:s16] =	ssyncset.done $0x0  }
0x20: {  	[sflag:s16] =	ssyncadd.s32 $0xFFFFC000  }
0x21: {  	_ =	swait.ge [sflag:s16], $0x4000  }
0x22: {  	[sflag:s16] =	ssyncset.done $0x0  }
0x23: {  	s19 =	sadd.s32 $0x0, s6;
	[sflag:s16] =	ssyncadd.s32 $0xFFFFC000  }
0x24: {  	[hbm4b:s19+s2] =	stream.linear.scatter [tilespmem:s12], [sflag:$0x3], $0x4000, $0x38;
	[tilespmem:$0x10100] =	vst v63  }
0x25: {  	_ =	swait.ge [sflag:s10], $0x4000  }
0x26: {  	[sflag:s10] =	ssyncset.done $0x0  }
0x27: {  	s20 =	sadd.s32 $0x0, s7;
	[sflag:s10] =	ssyncadd.s32 $0xFFFFC000  }
0x28: {  	[hbm4b:s20+s2] =	stream.linear.scatter [tilespmem:s13], [sflag:$0x3], $0x4000, $0x38;
	[tilespmem:$0x10100] =	vst v63  }
0x29: {  	_ =	swait.ge [sflag:s10], $0x4000  }
0x2a: {  	[sflag:s10] =	ssyncset.done $0x0  }
0x2b: {  	[sflag:s10] =	ssyncadd.s32 $0xFFFFC000  }
0x2c: {  	_ =	swait.ge [sflag:s17], $0x4000  }
0x2d: {  	[sflag:s17] =	ssyncset.done $0x0  }
0x2e: {  	[sflag:s17] =	ssyncadd.s32 $0xFFFFC000  }
0x2f: {  	_ =	swait.ge [sflag:s17], $0x4000  }
0x30: {  	[sflag:s17] =	ssyncset.done $0x0  }
0x31: {  	s19 =	sadd.s32 $0x800, s19;
	[sflag:s17] =	ssyncadd.s32 $0xFFFFC000  }
0x32: {  	[hbm4b:s19+s2] =	stream.linear.scatter [tilespmem:s14], [sflag:$0x3], $0x4000, $0x38;
	[tilespmem:$0x10100] =	vst v63  }
0x33: {  	_ =	swait.ge [sflag:s10], $0x4000  }
0x34: {  	[sflag:s10] =	ssyncset.done $0x0  }
0x35: {  	s31 =	sadd.s32 $0x800, s20;
	[sflag:s10] =	ssyncadd.s32 $0xFFFFC000  }
0x36: {  	[hbm4b:s31+s2] =	stream.linear.scatter [tilespmem:s15], [sflag:$0x3], $0x4000, $0x38;
	[tilespmem:$0x10100] =	vst v63  }
0x37: {  	s21 =	smov.u32 s9;
	_ =	swait.ge [sflag:s10], $0x4000  }
0x38: {  	s20 =	smov.u32 s8;
	s19 =	simm.s32 $0x1000;
	[sflag:s10] =	ssyncset.done $0x0  }
.LBB2_2:
0x39: {  	[sflag:s10] =	ssyncadd.s32 $0xFFFFC000  }
0x3a: {  	s20 =	sadd.s32 $0x20, s20;
	s21 =	sadd.s32 $0x20, s21;
	s22 =	smov.u32 s19  }
0x3b: {  	[tilespmem:s2], [sflag:$0x3] =	stream.linear.gather [hbm4b:s21+s2], $0x80, $0x38;
	[tilespmem:$0x10100] =	vst v63  }
0x3c: {  	p0 =	sne.s32 s19, $0xF000;
	s19 =	sadd.s32 $0x1000, s19;
	_ =	swait.ge [sflag:s10], $0x80  }
0x3d: {  	[sflag:s10] =	ssyncset.done $0x0  }
0x3e: {  	[sflag:s10] =	ssyncadd.s32 $0xFFFFFF80  }
0x3f: {  	[tilespmem:s12], [sflag:$0x1] =	stream.indirect.gather [hbm4b:s3+s11], $0x80, s2, s11, $0xb8;
	[tilespmem:$0x10100] =	vst v63  }
0x40: {  	_ = 	snop  }
0x41: {  	[tilespmem:s13], [sflag:$0x1] =	stream.indirect.gather [hbm4b:s4+s11], $0x80, s2, s11, $0xb8;
	[tilespmem:$0x10100] =	vst v63  }
0x42: {  	_ = 	snop  }
0x43: {  	[tilespmem:s11], [sflag:$0x3] =	stream.linear.gather [hbm4b:s20+s2], $0x80, $0x38;
	[tilespmem:$0x10100] =	vst v63  }
0x44: {  	_ =	swait.ge [sflag:s10], $0x80  }
0x45: {  	[sflag:s10] =	ssyncset.done $0x0  }
0x46: {  	[sflag:s10] =	ssyncadd.s32 $0xFFFFFF80  }
0x47: {  	[tilespmem:s14], [sflag:$0x2] =	stream.indirect.gather [hbm4b:s3+s11], $0x80, s11, s11, $0xb8;
	[tilespmem:$0x10100] =	vst v63  }
0x48: {  	_ = 	snop  }
0x49: {  	[tilespmem:s15], [sflag:$0x2] =	stream.indirect.gather [hbm4b:s4+s11], $0x80, s11, s11, $0xb8;
	[tilespmem:$0x10100] =	vst v63  }
0x4a: {  	_ =	swait.ge [sflag:s16], $0x4000  }
0x4b: {  	[sflag:s16] =	ssyncset.done $0x0  }
0x4c: {  	[sflag:s16] =	ssyncadd.s32 $0xFFFFC000  }
0x4d: {  	_ =	swait.ge [sflag:s16], $0x4000  }
0x4e: {  	[sflag:s16] =	ssyncset.done $0x0  }
0x4f: {  	s23 =	sadd.s32 s22, s6;
	[sflag:s16] =	ssyncadd.s32 $0xFFFFC000  }
0x50: {  	[hbm4b:s23+s2] =	stream.linear.scatter [tilespmem:s12], [sflag:$0x3], $0x4000, $0x38;
	[tilespmem:$0x10100] =	vst v63  }
0x51: {  	_ =	swait.ge [sflag:s10], $0x4000  }
0x52: {  	[sflag:s10] =	ssyncset.done $0x0  }
0x53: {  	s22 =	sadd.s32 s22, s7;
	[sflag:s10] =	ssyncadd.s32 $0xFFFFC000  }
0x54: {  	[hbm4b:s22+s2] =	stream.linear.scatter [tilespmem:s13], [sflag:$0x3], $0x4000, $0x38;
	[tilespmem:$0x10100] =	vst v63  }
0x55: {  	_ =	swait.ge [sflag:s10], $0x4000  }
0x56: {  	[sflag:s10] =	ssyncset.done $0x0  }
0x57: {  	[sflag:s10] =	ssyncadd.s32 $0xFFFFC000  }
0x58: {  	_ =	swait.ge [sflag:s17], $0x4000  }
0x59: {  	[sflag:s17] =	ssyncset.done $0x0  }
0x5a: {  	[sflag:s17] =	ssyncadd.s32 $0xFFFFC000  }
0x5b: {  	_ =	swait.ge [sflag:s17], $0x4000  }
0x5c: {  	[sflag:s17] =	ssyncset.done $0x0  }
0x5d: {  	s23 =	sadd.s32 $0x800, s23;
	[sflag:s17] =	ssyncadd.s32 $0xFFFFC000  }
0x5e: {  	[hbm4b:s23+s2] =	stream.linear.scatter [tilespmem:s14], [sflag:$0x3], $0x4000, $0x38;
	[tilespmem:$0x10100] =	vst v63  }
0x5f: {  	_ =	swait.ge [sflag:s10], $0x4000  }
.Ltmp0:
0x60: {  	[sflag:s10] =	ssyncset.done $0x0;
	(pc) =	sbr.rel @p0 .LBB2_2-.Ltmp0, $4  }
0x61: {  	s22 =	sadd.s32 $0x800, s22;
	[sflag:s10] =	ssyncadd.s32 $0xFFFFC000  }
0x62: {  	[hbm4b:s22+s2] =	stream.linear.scatter [tilespmem:s15], [sflag:$0x3], $0x4000, $0x38;
	[tilespmem:$0x10100] =	vst v63  }
0x63: {  	_ =	swait.ge [sflag:s10], $0x4000  }
0x64: {  	[sflag:s10] =	ssyncset.done $0x0  }
0x65: {  	s18 =	sadd.s32 $0x1, s18  }
0x66: {  	p0 =	sne.s32 s18, s5  }
.Ltmp1:
0x67: {  	_ = 	snop;
	(pc) =	sbr.rel @p0 .LBB2_1-.Ltmp1, $2  }
0x68: {  	_ =	sdelay $0x2  }
0x69: {  	[sflag:s10] =	ssyncadd.s32 $0xFFFFC000  }
0x6a: {  	_ =	sfence.sel $0x180000  }
0x6b: {  	[bflag:$0x0] =	sbarrier.arrive $0xFFFF  }
0x6c: {  	p0 =	sne.s32 s1, $0x0;
	_ =	strace $0x90000047  }
0x6d: {  	s0 =	sadd.s32 @!p0 $0x100000, s0;
	[bflag:$0x2] =	sbarrier.arrive $0xFFFF  }
0x6e: {  	[sflag:s0] =	ssyncadd.tile.s32 @!p0 $0x1;
	_ =	shalt  }
.Lfunc_end2:
_tile_overlayer_lowered:
.L_overlay_start_2:
0x6f: {  	(tag) =	ssettag $0x2  }
0x70: {  	s0 =	rddreg [dreg:$0x0];
	s2 =	stileid.u32  }
0x71: {  	s1 =	rddreg [dreg:$0x1];
	p0 =	sne.s32 s2, $0x0  }
0x72: {  	s3 =	rddreg [dreg:$0x2];
	[bflag:$0x3] =	sbarrier.arrive $0xFFFF;
	s2 =	simm.s32 @!p0 $0x1C03  }
0x73: {  	[timem:s3], [sflag:s2] =	dma.local @!p0 [hbm:s0], s1  }
0x74: {  	s0 =	simm.s32 @!p0 $0x3  }
0x75: {  	_ =	swait.ge @!p0 [sflag:s0], s1  }
0x76: {  	s1 =	ssub.s32 @!p0 $0x0, s1;
	[sflag:s0] =	ssyncset.done @!p0 $0x0  }
0x77: {  	[sflag:s0] =	ssyncadd.s32 @!p0 s1  }
0x78: {  	[bflag:$0x3] =	sbarrier.arrive $0xFFFF  }
0x79: {  	_ =	shalt  }

</sc_bundles>
